<compile_context>
chip_gen: v7x
topology: tpu7x:2x2x1
jax: 0.10.2.dev20260603
libtpu: 0.0.44.dev20260713+nightly
codegen_flags: <defaults>
</compile_context>

<pallas_src>
import functools

import jax
import jax.numpy as jnp
from jax import lax
from jax.experimental import pallas as pl
from jax.experimental.pallas import tpu as pltpu
from jax.experimental.pallas import tpu_sc as plsc

K = 8


def _make_embed(n_t: int, n_b: int, dim: int):
    info = plsc.get_sparse_core_info()
    nc, ns = info.num_cores, info.num_subcores
    nw = nc * ns
    cols = n_b // nw
    n_grp = n_t // K

    mesh = plsc.VectorSubcoreMesh(core_axis_name="c", subcore_axis_name="s")

    row_bufs = [pltpu.VMEM((cols, dim), jnp.float32) for _ in range(K)]
    gsems = [pltpu.SemaphoreType.DMA for _ in range(K)]
    wsems = [pltpu.SemaphoreType.DMA for _ in range(K)]

    @functools.partial(
        pl.kernel,
        mesh=mesh,
        out_type=jax.ShapeDtypeStruct((n_t, n_b, dim), jnp.float32),
        scratch_types=[pltpu.VMEM((n_t, cols), jnp.int32)]
        + row_bufs
        + gsems
        + wsems,
        compiler_params=pltpu.CompilerParams(use_tc_tiling_on_sc=False),
    )
    def embed(idx_hbm, table_hbm, out_hbm, idx_v, *bufs_and_sems):
        rows_v = bufs_and_sems[:K]
        gsem = bufs_and_sems[K : 2 * K]
        wsem = bufs_and_sems[2 * K : 3 * K]
        wid = lax.axis_index("s") * nc + lax.axis_index("c")
        col0 = wid * cols

        pltpu.sync_copy(idx_hbm.at[:, pl.ds(col0, cols)], idx_v)

        def gather(t_dyn, b):
            pltpu.async_copy(
                table_hbm.at[idx_v.at[t_dyn]],
                rows_v[b],
                gsem[b],
            )

        def wait_gather(b):
            pltpu.make_async_copy(
                table_hbm.at[idx_v.at[0]], rows_v[b], gsem[b]
            ).wait()

        def writeback(t_dyn, b):
            pltpu.async_copy(
                rows_v[b],
                out_hbm.at[t_dyn, pl.ds(col0, cols), :],
                wsem[b],
            )

        def wait_writeback(b):
            pltpu.make_async_copy(
                rows_v[b],
                out_hbm.at[0, pl.ds(col0, cols), :],
                wsem[b],
            ).wait()

        for b in range(K):
            gather(b, b)

        def body(g, carry):
            t0 = g * K
            for b in range(K):
                wait_gather(b)
                writeback(t0 + b, b)

            @pl.when(g + 1 < n_grp)
            def _():
                for b in range(K):
                    wait_writeback(b)
                    gather(t0 + K + b, b)

            return carry

        lax.fori_loop(0, n_grp, body, 0)
        for b in range(K):
            wait_writeback(b)

    return embed


def kernel(event_activities, activity_embedding):
    n_t, n_b = event_activities.shape
    vocab, dim = activity_embedding.shape
    return _make_embed(n_t, n_b, dim)(event_activities, activity_embedding)

# --- scband reference (transcript-rebuilt; emitter-appended) ---
"""Pipeline reference for scband-base-embedder-32684701122856 (READ-ONLY COPY).

The authoritative reference and input builder live on the scoring server;
editing this copy changes nothing except your own understanding.
"""

import jax, jax.numpy as jnp
import numpy as np

NUM_ACTIVITIES = 1000000
HIDDEN_SIZE = 64
MAX_LEN = 200
BATCH = 4096


def setup_inputs(seed: int = 0) -> dict:
    key = jax.random.key(seed)
    k1, k2 = jax.random.split(key)
    event_activities = jax.random.randint(k1, (MAX_LEN, BATCH), 0, NUM_ACTIVITIES, dtype=jnp.int64 if jax.config.jax_enable_x64 else jnp.int32)
    activity_embedding = jax.random.normal(k2, (NUM_ACTIVITIES, HIDDEN_SIZE), dtype=jnp.float32) * 0.02
    return {"event_activities": event_activities, "activity_embedding": activity_embedding}


def reference(event_activities, activity_embedding):
    # BaseEmbedder.forward with event_times=None: pure embedding lookup.
    # (code after the first return in the original forward is dead code)
    event_activities_embeddings = jnp.take(activity_embedding, event_activities, axis=0)
    return event_activities_embeddings

if __name__ == "__main__":
    import jax
    _d = setup_inputs()
    print(jax.jit(kernel)(*tuple(_d.values())))

</pallas_src>

<mosaic_0001>
#map = affine_map<(d0, d1) -> (0, 0)>
#map1 = affine_map<(d0, d1) -> (0, 0, 0)>
module attributes {stable_mosaic.version = 14 : i64} {
  func.func @embed(%arg0: i32, %arg1: i32, %arg2: memref<200x4096xi32, #tpu.memory_space<hbm>>, %arg3: memref<1000000x64xf32, #tpu.memory_space<hbm>>, %arg4: memref<200x4096x64xf32, #tpu.memory_space<hbm>>, %arg5: memref<200x128xi32, #tpu.memory_space<vmem>>, %arg6: memref<128x64xf32, #tpu.memory_space<vmem>>, %arg7: memref<128x64xf32, #tpu.memory_space<vmem>>, %arg8: memref<128x64xf32, #tpu.memory_space<vmem>>, %arg9: memref<128x64xf32, #tpu.memory_space<vmem>>, %arg10: memref<128x64xf32, #tpu.memory_space<vmem>>, %arg11: memref<128x64xf32, #tpu.memory_space<vmem>>, %arg12: memref<128x64xf32, #tpu.memory_space<vmem>>, %arg13: memref<128x64xf32, #tpu.memory_space<vmem>>, %arg14: memref<!tpu.dma_semaphore, #tpu.memory_space<semaphore_mem>>, %arg15: memref<!tpu.dma_semaphore, #tpu.memory_space<semaphore_mem>>, %arg16: memref<!tpu.dma_semaphore, #tpu.memory_space<semaphore_mem>>, %arg17: memref<!tpu.dma_semaphore, #tpu.memory_space<semaphore_mem>>, %arg18: memref<!tpu.dma_semaphore, #tpu.memory_space<semaphore_mem>>, %arg19: memref<!tpu.dma_semaphore, #tpu.memory_space<semaphore_mem>>, %arg20: memref<!tpu.dma_semaphore, #tpu.memory_space<semaphore_mem>>, %arg21: memref<!tpu.dma_semaphore, #tpu.memory_space<semaphore_mem>>, %arg22: memref<!tpu.dma_semaphore, #tpu.memory_space<semaphore_mem>>, %arg23: memref<!tpu.dma_semaphore, #tpu.memory_space<semaphore_mem>>, %arg24: memref<!tpu.dma_semaphore, #tpu.memory_space<semaphore_mem>>, %arg25: memref<!tpu.dma_semaphore, #tpu.memory_space<semaphore_mem>>, %arg26: memref<!tpu.dma_semaphore, #tpu.memory_space<semaphore_mem>>, %arg27: memref<!tpu.dma_semaphore, #tpu.memory_space<semaphore_mem>>, %arg28: memref<!tpu.dma_semaphore, #tpu.memory_space<semaphore_mem>>, %arg29: memref<!tpu.dma_semaphore, #tpu.memory_space<semaphore_mem>>) attributes {dimension_semantics = [#tpu.dimension_semantics<core_parallel>, #tpu.dimension_semantics<subcore_parallel>], iteration_bounds = array<i64: 2, 16>, scalar_prefetch = 0 : i64, scratch_operands = 25 : i64, tpu.core_type = #tpu.core_type<sc_vector_subcore>, window_params = [{transform_indices = #map}, {transform_indices = #map}, {transform_indices = #map1}]} {
    %mul3A = arith.constant 2 : i32
    %mul3A_0 = arith.muli %arg1, %mul3A : i32
    %add3A = arith.addi %mul3A_0, %arg0 : i32
    %mul3A_1 = arith.constant 128 : i32
    %mul3A_2 = arith.muli %add3A, %mul3A_1 : i32
    "tpu.region"() ({
      %run_scoped3A = tpu.sem_alloc : memref<!tpu.dma_semaphore, #tpu.memory_space<semaphore_mem>>
      %dma_start3A_118 = arith.constant 0 : i32
      %dma_start3A_119 = tpu.memref_slice %arg2[%dma_start3A_118, %mul3A_2] : memref<200x4096xi32, #tpu.memory_space<hbm>> -> memref<200x128xi32, #tpu.memory_space<hbm>>
      %dma_start3A_120 = arith.constant 0 : i32
      %dma_start3A_121 = tpu.memref_slice %arg2[%dma_start3A_120, %mul3A_2] : memref<200x4096xi32, #tpu.memory_space<hbm>> -> memref<200x128xi32, #tpu.memory_space<hbm>>
      tpu.enqueue_dma source(%dma_start3A_121 : memref<200x128xi32, #tpu.memory_space<hbm>>) target(%arg5 : memref<200x128xi32, #tpu.memory_space<vmem>>) target_semaphore(%run_scoped3A : memref<!tpu.dma_semaphore, #tpu.memory_space<semaphore_mem>>)
      %dma_wait3A_122 = arith.constant 0 : i32
      %dma_wait3A_123 = tpu.memref_slice %arg2[%dma_wait3A_122, %mul3A_2] : memref<200x4096xi32, #tpu.memory_space<hbm>> -> memref<200x128xi32, #tpu.memory_space<hbm>>
      %dma_wait3A_124 = arith.constant 0 : i32
      %dma_wait3A_125 = tpu.memref_slice %arg2[%dma_wait3A_124, %mul3A_2] : memref<200x4096xi32, #tpu.memory_space<hbm>> -> memref<200x128xi32, #tpu.memory_space<hbm>>
      tpu.wait_dma2 semaphore(%run_scoped3A : memref<!tpu.dma_semaphore, #tpu.memory_space<semaphore_mem>>) src(%dma_wait3A_125 : memref<200x128xi32, #tpu.memory_space<hbm>>) dst(%arg5 : memref<200x128xi32, #tpu.memory_space<vmem>>)
      tpu.yield
    }) : () -> ()
    %dma_start3A = arith.constant 0 : i32
    %dma_start3A_3 = arith.constant 0 : i32
    %dma_start3A_4 = tpu.memref_slice %arg5[%dma_start3A, %dma_start3A_3] : memref<200x128xi32, #tpu.memory_space<vmem>> -> memref<1x128xi32, #tpu.memory_space<vmem>>
    %dma_start3A_5 = tpu.memref_squeeze %dma_start3A_4 : memref<1x128xi32, #tpu.memory_space<vmem>> -> memref<128xi32, #tpu.memory_space<vmem>>
    %dma_start3A_6 = arith.constant 0 : i32
    %dma_start3A_7 = arith.constant 0 : i32
    %dma_start3A_8 = tpu.memref_slice %arg3[%dma_start3A_6, %dma_start3A_7] : memref<1000000x64xf32, #tpu.memory_space<hbm>> -> memref<1000000x64xf32, #tpu.memory_space<hbm>>
    tpu.enqueue_indirect_dma source(%dma_start3A_8 : memref<1000000x64xf32, #tpu.memory_space<hbm>>) target(%arg6 : memref<128x64xf32, #tpu.memory_space<vmem>>) offsets(%dma_start3A_5 : memref<128xi32, #tpu.memory_space<vmem>>) semaphore(%arg14 : memref<!tpu.dma_semaphore, #tpu.memory_space<semaphore_mem>>)
    %dma_start3A_9 = arith.constant 1 : i32
    %dma_start3A_10 = arith.constant 0 : i32
    %dma_start3A_11 = tpu.memref_slice %arg5[%dma_start3A_9, %dma_start3A_10] : memref<200x128xi32, #tpu.memory_space<vmem>> -> memref<1x128xi32, #tpu.memory_space<vmem>>
    %dma_start3A_12 = tpu.memref_squeeze %dma_start3A_11 : memref<1x128xi32, #tpu.memory_space<vmem>> -> memref<128xi32, #tpu.memory_space<vmem>>
    %dma_start3A_13 = arith.constant 0 : i32
    %dma_start3A_14 = arith.constant 0 : i32
    %dma_start3A_15 = tpu.memref_slice %arg3[%dma_start3A_13, %dma_start3A_14] : memref<1000000x64xf32, #tpu.memory_space<hbm>> -> memref<1000000x64xf32, #tpu.memory_space<hbm>>
    tpu.enqueue_indirect_dma source(%dma_start3A_15 : memref<1000000x64xf32, #tpu.memory_space<hbm>>) target(%arg7 : memref<128x64xf32, #tpu.memory_space<vmem>>) offsets(%dma_start3A_12 : memref<128xi32, #tpu.memory_space<vmem>>) semaphore(%arg15 : memref<!tpu.dma_semaphore, #tpu.memory_space<semaphore_mem>>)
    %dma_start3A_16 = arith.constant 2 : i32
    %dma_start3A_17 = arith.constant 0 : i32
    %dma_start3A_18 = tpu.memref_slice %arg5[%dma_start3A_16, %dma_start3A_17] : memref<200x128xi32, #tpu.memory_space<vmem>> -> memref<1x128xi32, #tpu.memory_space<vmem>>
    %dma_start3A_19 = tpu.memref_squeeze %dma_start3A_18 : memref<1x128xi32, #tpu.memory_space<vmem>> -> memref<128xi32, #tpu.memory_space<vmem>>
    %dma_start3A_20 = arith.constant 0 : i32
    %dma_start3A_21 = arith.constant 0 : i32
    %dma_start3A_22 = tpu.memref_slice %arg3[%dma_start3A_20, %dma_start3A_21] : memref<1000000x64xf32, #tpu.memory_space<hbm>> -> memref<1000000x64xf32, #tpu.memory_space<hbm>>
    tpu.enqueue_indirect_dma source(%dma_start3A_22 : memref<1000000x64xf32, #tpu.memory_space<hbm>>) target(%arg8 : memref<128x64xf32, #tpu.memory_space<vmem>>) offsets(%dma_start3A_19 : memref<128xi32, #tpu.memory_space<vmem>>) semaphore(%arg16 : memref<!tpu.dma_semaphore, #tpu.memory_space<semaphore_mem>>)
    %dma_start3A_23 = arith.constant 3 : i32
    %dma_start3A_24 = arith.constant 0 : i32
    %dma_start3A_25 = tpu.memref_slice %arg5[%dma_start3A_23, %dma_start3A_24] : memref<200x128xi32, #tpu.memory_space<vmem>> -> memref<1x128xi32, #tpu.memory_space<vmem>>
    %dma_start3A_26 = tpu.memref_squeeze %dma_start3A_25 : memref<1x128xi32, #tpu.memory_space<vmem>> -> memref<128xi32, #tpu.memory_space<vmem>>
    %dma_start3A_27 = arith.constant 0 : i32
    %dma_start3A_28 = arith.constant 0 : i32
    %dma_start3A_29 = tpu.memref_slice %arg3[%dma_start3A_27, %dma_start3A_28] : memref<1000000x64xf32, #tpu.memory_space<hbm>> -> memref<1000000x64xf32, #tpu.memory_space<hbm>>
    tpu.enqueue_indirect_dma source(%dma_start3A_29 : memref<1000000x64xf32, #tpu.memory_space<hbm>>) target(%arg9 : memref<128x64xf32, #tpu.memory_space<vmem>>) offsets(%dma_start3A_26 : memref<128xi32, #tpu.memory_space<vmem>>) semaphore(%arg17 : memref<!tpu.dma_semaphore, #tpu.memory_space<semaphore_mem>>)
    %dma_start3A_30 = arith.constant 4 : i32
    %dma_start3A_31 = arith.constant 0 : i32
    %dma_start3A_32 = tpu.memref_slice %arg5[%dma_start3A_30, %dma_start3A_31] : memref<200x128xi32, #tpu.memory_space<vmem>> -> memref<1x128xi32, #tpu.memory_space<vmem>>
    %dma_start3A_33 = tpu.memref_squeeze %dma_start3A_32 : memref<1x128xi32, #tpu.memory_space<vmem>> -> memref<128xi32, #tpu.memory_space<vmem>>
    %dma_start3A_34 = arith.constant 0 : i32
    %dma_start3A_35 = arith.constant 0 : i32
    %dma_start3A_36 = tpu.memref_slice %arg3[%dma_start3A_34, %dma_start3A_35] : memref<1000000x64xf32, #tpu.memory_space<hbm>> -> memref<1000000x64xf32, #tpu.memory_space<hbm>>
    tpu.enqueue_indirect_dma source(%dma_start3A_36 : memref<1000000x64xf32, #tpu.memory_space<hbm>>) target(%arg10 : memref<128x64xf32, #tpu.memory_space<vmem>>) offsets(%dma_start3A_33 : memref<128xi32, #tpu.memory_space<vmem>>) semaphore(%arg18 : memref<!tpu.dma_semaphore, #tpu.memory_space<semaphore_mem>>)
    %dma_start3A_37 = arith.constant 5 : i32
    %dma_start3A_38 = arith.constant 0 : i32
    %dma_start3A_39 = tpu.memref_slice %arg5[%dma_start3A_37, %dma_start3A_38] : memref<200x128xi32, #tpu.memory_space<vmem>> -> memref<1x128xi32, #tpu.memory_space<vmem>>
    %dma_start3A_40 = tpu.memref_squeeze %dma_start3A_39 : memref<1x128xi32, #tpu.memory_space<vmem>> -> memref<128xi32, #tpu.memory_space<vmem>>
    %dma_start3A_41 = arith.constant 0 : i32
    %dma_start3A_42 = arith.constant 0 : i32
    %dma_start3A_43 = tpu.memref_slice %arg3[%dma_start3A_41, %dma_start3A_42] : memref<1000000x64xf32, #tpu.memory_space<hbm>> -> memref<1000000x64xf32, #tpu.memory_space<hbm>>
    tpu.enqueue_indirect_dma source(%dma_start3A_43 : memref<1000000x64xf32, #tpu.memory_space<hbm>>) target(%arg11 : memref<128x64xf32, #tpu.memory_space<vmem>>) offsets(%dma_start3A_40 : memref<128xi32, #tpu.memory_space<vmem>>) semaphore(%arg19 : memref<!tpu.dma_semaphore, #tpu.memory_space<semaphore_mem>>)
    %dma_start3A_44 = arith.constant 6 : i32
    %dma_start3A_45 = arith.constant 0 : i32
    %dma_start3A_46 = tpu.memref_slice %arg5[%dma_start3A_44, %dma_start3A_45] : memref<200x128xi32, #tpu.memory_space<vmem>> -> memref<1x128xi32, #tpu.memory_space<vmem>>
    %dma_start3A_47 = tpu.memref_squeeze %dma_start3A_46 : memref<1x128xi32, #tpu.memory_space<vmem>> -> memref<128xi32, #tpu.memory_space<vmem>>
    %dma_start3A_48 = arith.constant 0 : i32
    %dma_start3A_49 = arith.constant 0 : i32
    %dma_start3A_50 = tpu.memref_slice %arg3[%dma_start3A_48, %dma_start3A_49] : memref<1000000x64xf32, #tpu.memory_space<hbm>> -> memref<1000000x64xf32, #tpu.memory_space<hbm>>
    tpu.enqueue_indirect_dma source(%dma_start3A_50 : memref<1000000x64xf32, #tpu.memory_space<hbm>>) target(%arg12 : memref<128x64xf32, #tpu.memory_space<vmem>>) offsets(%dma_start3A_47 : memref<128xi32, #tpu.memory_space<vmem>>) semaphore(%arg20 : memref<!tpu.dma_semaphore, #tpu.memory_space<semaphore_mem>>)
    %dma_start3A_51 = arith.constant 7 : i32
    %dma_start3A_52 = arith.constant 0 : i32
    %dma_start3A_53 = tpu.memref_slice %arg5[%dma_start3A_51, %dma_start3A_52] : memref<200x128xi32, #tpu.memory_space<vmem>> -> memref<1x128xi32, #tpu.memory_space<vmem>>
    %dma_start3A_54 = tpu.memref_squeeze %dma_start3A_53 : memref<1x128xi32, #tpu.memory_space<vmem>> -> memref<128xi32, #tpu.memory_space<vmem>>
    %dma_start3A_55 = arith.constant 0 : i32
    %dma_start3A_56 = arith.constant 0 : i32
    %dma_start3A_57 = tpu.memref_slice %arg3[%dma_start3A_55, %dma_start3A_56] : memref<1000000x64xf32, #tpu.memory_space<hbm>> -> memref<1000000x64xf32, #tpu.memory_space<hbm>>
    tpu.enqueue_indirect_dma source(%dma_start3A_57 : memref<1000000x64xf32, #tpu.memory_space<hbm>>) target(%arg13 : memref<128x64xf32, #tpu.memory_space<vmem>>) offsets(%dma_start3A_54 : memref<128xi32, #tpu.memory_space<vmem>>) semaphore(%arg21 : memref<!tpu.dma_semaphore, #tpu.memory_space<semaphore_mem>>)
    %scan3A = arith.constant 0 : i32
    %scan3A_58 = arith.constant 0 : i32
    %scan3A_59 = arith.constant 25 : i32
    %scan3A_60 = arith.addi %scan3A_58, %scan3A_59 : i32
    %scan3A_61 = arith.constant 1 : i32
    scf.for %scan3A_118 = %scan3A_58 to %scan3A_60 step %scan3A_61  : i32 {
      %mul3A_119 = arith.constant 8 : i32
      %mul3A_120 = arith.muli %scan3A_118, %mul3A_119 : i32
      %dma_wait3A_121 = arith.constant 0 : i32
      %dma_wait3A_122 = arith.constant 0 : i32
      %dma_wait3A_123 = tpu.memref_slice %arg5[%dma_wait3A_121, %dma_wait3A_122] : memref<200x128xi32, #tpu.memory_space<vmem>> -> memref<1x128xi32, #tpu.memory_space<vmem>>
      %dma_wait3A_124 = tpu.memref_squeeze %dma_wait3A_123 : memref<1x128xi32, #tpu.memory_space<vmem>> -> memref<128xi32, #tpu.memory_space<vmem>>
      %dma_wait3A_125 = arith.constant 0 : i32
      %dma_wait3A_126 = arith.constant 0 : i32
      %dma_wait3A_127 = tpu.memref_slice %arg3[%dma_wait3A_125, %dma_wait3A_126] : memref<1000000x64xf32, #tpu.memory_space<hbm>> -> memref<1000000x64xf32, #tpu.memory_space<hbm>>
      tpu.wait_indirect_dma semaphore(%arg14 : memref<!tpu.dma_semaphore, #tpu.memory_space<semaphore_mem>>) src(%dma_wait3A_127 : memref<1000000x64xf32, #tpu.memory_space<hbm>>) dst(%arg6 : memref<128x64xf32, #tpu.memory_space<vmem>>)
      %add3A_128 = arith.constant 0 : i32
      %add3A_129 = arith.addi %mul3A_120, %add3A_128 : i32
      %dma_start3A_130 = arith.constant 0 : i32
      %dma_start3A_131 = tpu.memref_slice %arg4[%add3A_129, %mul3A_2, %dma_start3A_130] : memref<200x4096x64xf32, #tpu.memory_space<hbm>> -> memref<1x128x64xf32, #tpu.memory_space<hbm>>
      %dma_start3A_132 = tpu.memref_squeeze %dma_start3A_131 : memref<1x128x64xf32, #tpu.memory_space<hbm>> -> memref<128x64xf32, #tpu.memory_space<hbm>>
      %dma_start3A_133 = arith.constant 0 : i32
      %dma_start3A_134 = tpu.memref_slice %arg4[%add3A_129, %mul3A_2, %dma_start3A_133] : memref<200x4096x64xf32, #tpu.memory_space<hbm>> -> memref<1x128x64xf32, #tpu.memory_space<hbm>>
      %dma_start3A_135 = tpu.memref_squeeze %dma_start3A_134 : memref<1x128x64xf32, #tpu.memory_space<hbm>> -> memref<128x64xf32, #tpu.memory_space<hbm>>
      tpu.enqueue_dma source(%arg6 : memref<128x64xf32, #tpu.memory_space<vmem>>) target(%dma_start3A_135 : memref<128x64xf32, #tpu.memory_space<hbm>>) target_semaphore(%arg22 : memref<!tpu.dma_semaphore, #tpu.memory_space<semaphore_mem>>)
      %dma_wait3A_136 = arith.constant 0 : i32
      %dma_wait3A_137 = arith.constant 0 : i32
      %dma_wait3A_138 = tpu.memref_slice %arg5[%dma_wait3A_136, %dma_wait3A_137] : memref<200x128xi32, #tpu.memory_space<vmem>> -> memref<1x128xi32, #tpu.memory_space<vmem>>
      %dma_wait3A_139 = tpu.memref_squeeze %dma_wait3A_138 : memref<1x128xi32, #tpu.memory_space<vmem>> -> memref<128xi32, #tpu.memory_space<vmem>>
      %dma_wait3A_140 = arith.constant 0 : i32
      %dma_wait3A_141 = arith.constant 0 : i32
      %dma_wait3A_142 = tpu.memref_slice %arg3[%dma_wait3A_140, %dma_wait3A_141] : memref<1000000x64xf32, #tpu.memory_space<hbm>> -> memref<1000000x64xf32, #tpu.memory_space<hbm>>
      tpu.wait_indirect_dma semaphore(%arg15 : memref<!tpu.dma_semaphore, #tpu.memory_space<semaphore_mem>>) src(%dma_wait3A_142 : memref<1000000x64xf32, #tpu.memory_space<hbm>>) dst(%arg7 : memref<128x64xf32, #tpu.memory_space<vmem>>)
      %add3A_143 = arith.constant 1 : i32
      %add3A_144 = arith.addi %mul3A_120, %add3A_143 : i32
      %dma_start3A_145 = arith.constant 0 : i32
      %dma_start3A_146 = tpu.memref_slice %arg4[%add3A_144, %mul3A_2, %dma_start3A_145] : memref<200x4096x64xf32, #tpu.memory_space<hbm>> -> memref<1x128x64xf32, #tpu.memory_space<hbm>>
      %dma_start3A_147 = tpu.memref_squeeze %dma_start3A_146 : memref<1x128x64xf32, #tpu.memory_space<hbm>> -> memref<128x64xf32, #tpu.memory_space<hbm>>
      %dma_start3A_148 = arith.constant 0 : i32
      %dma_start3A_149 = tpu.memref_slice %arg4[%add3A_144, %mul3A_2, %dma_start3A_148] : memref<200x4096x64xf32, #tpu.memory_space<hbm>> -> memref<1x128x64xf32, #tpu.memory_space<hbm>>
      %dma_start3A_150 = tpu.memref_squeeze %dma_start3A_149 : memref<1x128x64xf32, #tpu.memory_space<hbm>> -> memref<128x64xf32, #tpu.memory_space<hbm>>
      tpu.enqueue_dma source(%arg7 : memref<128x64xf32, #tpu.memory_space<vmem>>) target(%dma_start3A_150 : memref<128x64xf32, #tpu.memory_space<hbm>>) target_semaphore(%arg23 : memref<!tpu.dma_semaphore, #tpu.memory_space<semaphore_mem>>)
      %dma_wait3A_151 = arith.constant 0 : i32
      %dma_wait3A_152 = arith.constant 0 : i32
      %dma_wait3A_153 = tpu.memref_slice %arg5[%dma_wait3A_151, %dma_wait3A_152] : memref<200x128xi32, #tpu.memory_space<vmem>> -> memref<1x128xi32, #tpu.memory_space<vmem>>
      %dma_wait3A_154 = tpu.memref_squeeze %dma_wait3A_153 : memref<1x128xi32, #tpu.memory_space<vmem>> -> memref<128xi32, #tpu.memory_space<vmem>>
      %dma_wait3A_155 = arith.constant 0 : i32
      %dma_wait3A_156 = arith.constant 0 : i32
      %dma_wait3A_157 = tpu.memref_slice %arg3[%dma_wait3A_155, %dma_wait3A_156] : memref<1000000x64xf32, #tpu.memory_space<hbm>> -> memref<1000000x64xf32, #tpu.memory_space<hbm>>
      tpu.wait_indirect_dma semaphore(%arg16 : memref<!tpu.dma_semaphore, #tpu.memory_space<semaphore_mem>>) src(%dma_wait3A_157 : memref<1000000x64xf32, #tpu.memory_space<hbm>>) dst(%arg8 : memref<128x64xf32, #tpu.memory_space<vmem>>)
      %add3A_158 = arith.constant 2 : i32
      %add3A_159 = arith.addi %mul3A_120, %add3A_158 : i32
      %dma_start3A_160 = arith.constant 0 : i32
      %dma_start3A_161 = tpu.memref_slice %arg4[%add3A_159, %mul3A_2, %dma_start3A_160] : memref<200x4096x64xf32, #tpu.memory_space<hbm>> -> memref<1x128x64xf32, #tpu.memory_space<hbm>>
      %dma_start3A_162 = tpu.memref_squeeze %dma_start3A_161 : memref<1x128x64xf32, #tpu.memory_space<hbm>> -> memref<128x64xf32, #tpu.memory_space<hbm>>
      %dma_start3A_163 = arith.constant 0 : i32
      %dma_start3A_164 = tpu.memref_slice %arg4[%add3A_159, %mul3A_2, %dma_start3A_163] : memref<200x4096x64xf32, #tpu.memory_space<hbm>> -> memref<1x128x64xf32, #tpu.memory_space<hbm>>
      %dma_start3A_165 = tpu.memref_squeeze %dma_start3A_164 : memref<1x128x64xf32, #tpu.memory_space<hbm>> -> memref<128x64xf32, #tpu.memory_space<hbm>>
      tpu.enqueue_dma source(%arg8 : memref<128x64xf32, #tpu.memory_space<vmem>>) target(%dma_start3A_165 : memref<128x64xf32, #tpu.memory_space<hbm>>) target_semaphore(%arg24 : memref<!tpu.dma_semaphore, #tpu.memory_space<semaphore_mem>>)
      %dma_wait3A_166 = arith.constant 0 : i32
      %dma_wait3A_167 = arith.constant 0 : i32
      %dma_wait3A_168 = tpu.memref_slice %arg5[%dma_wait3A_166, %dma_wait3A_167] : memref<200x128xi32, #tpu.memory_space<vmem>> -> memref<1x128xi32, #tpu.memory_space<vmem>>
      %dma_wait3A_169 = tpu.memref_squeeze %dma_wait3A_168 : memref<1x128xi32, #tpu.memory_space<vmem>> -> memref<128xi32, #tpu.memory_space<vmem>>
      %dma_wait3A_170 = arith.constant 0 : i32
      %dma_wait3A_171 = arith.constant 0 : i32
      %dma_wait3A_172 = tpu.memref_slice %arg3[%dma_wait3A_170, %dma_wait3A_171] : memref<1000000x64xf32, #tpu.memory_space<hbm>> -> memref<1000000x64xf32, #tpu.memory_space<hbm>>
      tpu.wait_indirect_dma semaphore(%arg17 : memref<!tpu.dma_semaphore, #tpu.memory_space<semaphore_mem>>) src(%dma_wait3A_172 : memref<1000000x64xf32, #tpu.memory_space<hbm>>) dst(%arg9 : memref<128x64xf32, #tpu.memory_space<vmem>>)
      %add3A_173 = arith.constant 3 : i32
      %add3A_174 = arith.addi %mul3A_120, %add3A_173 : i32
      %dma_start3A_175 = arith.constant 0 : i32
      %dma_start3A_176 = tpu.memref_slice %arg4[%add3A_174, %mul3A_2, %dma_start3A_175] : memref<200x4096x64xf32, #tpu.memory_space<hbm>> -> memref<1x128x64xf32, #tpu.memory_space<hbm>>
      %dma_start3A_177 = tpu.memref_squeeze %dma_start3A_176 : memref<1x128x64xf32, #tpu.memory_space<hbm>> -> memref<128x64xf32, #tpu.memory_space<hbm>>
      %dma_start3A_178 = arith.constant 0 : i32
      %dma_start3A_179 = tpu.memref_slice %arg4[%add3A_174, %mul3A_2, %dma_start3A_178] : memref<200x4096x64xf32, #tpu.memory_space<hbm>> -> memref<1x128x64xf32, #tpu.memory_space<hbm>>
      %dma_start3A_180 = tpu.memref_squeeze %dma_start3A_179 : memref<1x128x64xf32, #tpu.memory_space<hbm>> -> memref<128x64xf32, #tpu.memory_space<hbm>>
      tpu.enqueue_dma source(%arg9 : memref<128x64xf32, #tpu.memory_space<vmem>>) target(%dma_start3A_180 : memref<128x64xf32, #tpu.memory_space<hbm>>) target_semaphore(%arg25 : memref<!tpu.dma_semaphore, #tpu.memory_space<semaphore_mem>>)
      %dma_wait3A_181 = arith.constant 0 : i32
      %dma_wait3A_182 = arith.constant 0 : i32
      %dma_wait3A_183 = tpu.memref_slice %arg5[%dma_wait3A_181, %dma_wait3A_182] : memref<200x128xi32, #tpu.memory_space<vmem>> -> memref<1x128xi32, #tpu.memory_space<vmem>>
      %dma_wait3A_184 = tpu.memref_squeeze %dma_wait3A_183 : memref<1x128xi32, #tpu.memory_space<vmem>> -> memref<128xi32, #tpu.memory_space<vmem>>
      %dma_wait3A_185 = arith.constant 0 : i32
      %dma_wait3A_186 = arith.constant 0 : i32
      %dma_wait3A_187 = tpu.memref_slice %arg3[%dma_wait3A_185, %dma_wait3A_186] : memref<1000000x64xf32, #tpu.memory_space<hbm>> -> memref<1000000x64xf32, #tpu.memory_space<hbm>>
      tpu.wait_indirect_dma semaphore(%arg18 : memref<!tpu.dma_semaphore, #tpu.memory_space<semaphore_mem>>) src(%dma_wait3A_187 : memref<1000000x64xf32, #tpu.memory_space<hbm>>) dst(%arg10 : memref<128x64xf32, #tpu.memory_space<vmem>>)
      %add3A_188 = arith.constant 4 : i32
      %add3A_189 = arith.addi %mul3A_120, %add3A_188 : i32
      %dma_start3A_190 = arith.constant 0 : i32
      %dma_start3A_191 = tpu.memref_slice %arg4[%add3A_189, %mul3A_2, %dma_start3A_190] : memref<200x4096x64xf32, #tpu.memory_space<hbm>> -> memref<1x128x64xf32, #tpu.memory_space<hbm>>
      %dma_start3A_192 = tpu.memref_squeeze %dma_start3A_191 : memref<1x128x64xf32, #tpu.memory_space<hbm>> -> memref<128x64xf32, #tpu.memory_space<hbm>>
      %dma_start3A_193 = arith.constant 0 : i32
      %dma_start3A_194 = tpu.memref_slice %arg4[%add3A_189, %mul3A_2, %dma_start3A_193] : memref<200x4096x64xf32, #tpu.memory_space<hbm>> -> memref<1x128x64xf32, #tpu.memory_space<hbm>>
      %dma_start3A_195 = tpu.memref_squeeze %dma_start3A_194 : memref<1x128x64xf32, #tpu.memory_space<hbm>> -> memref<128x64xf32, #tpu.memory_space<hbm>>
      tpu.enqueue_dma source(%arg10 : memref<128x64xf32, #tpu.memory_space<vmem>>) target(%dma_start3A_195 : memref<128x64xf32, #tpu.memory_space<hbm>>) target_semaphore(%arg26 : memref<!tpu.dma_semaphore, #tpu.memory_space<semaphore_mem>>)
      %dma_wait3A_196 = arith.constant 0 : i32
      %dma_wait3A_197 = arith.constant 0 : i32
      %dma_wait3A_198 = tpu.memref_slice %arg5[%dma_wait3A_196, %dma_wait3A_197] : memref<200x128xi32, #tpu.memory_space<vmem>> -> memref<1x128xi32, #tpu.memory_space<vmem>>
      %dma_wait3A_199 = tpu.memref_squeeze %dma_wait3A_198 : memref<1x128xi32, #tpu.memory_space<vmem>> -> memref<128xi32, #tpu.memory_space<vmem>>
      %dma_wait3A_200 = arith.constant 0 : i32
      %dma_wait3A_201 = arith.constant 0 : i32
      %dma_wait3A_202 = tpu.memref_slice %arg3[%dma_wait3A_200, %dma_wait3A_201] : memref<1000000x64xf32, #tpu.memory_space<hbm>> -> memref<1000000x64xf32, #tpu.memory_space<hbm>>
      tpu.wait_indirect_dma semaphore(%arg19 : memref<!tpu.dma_semaphore, #tpu.memory_space<semaphore_mem>>) src(%dma_wait3A_202 : memref<1000000x64xf32, #tpu.memory_space<hbm>>) dst(%arg11 : memref<128x64xf32, #tpu.memory_space<vmem>>)
      %add3A_203 = arith.constant 5 : i32
      %add3A_204 = arith.addi %mul3A_120, %add3A_203 : i32
      %dma_start3A_205 = arith.constant 0 : i32
      %dma_start3A_206 = tpu.memref_slice %arg4[%add3A_204, %mul3A_2, %dma_start3A_205] : memref<200x4096x64xf32, #tpu.memory_space<hbm>> -> memref<1x128x64xf32, #tpu.memory_space<hbm>>
      %dma_start3A_207 = tpu.memref_squeeze %dma_start3A_206 : memref<1x128x64xf32, #tpu.memory_space<hbm>> -> memref<128x64xf32, #tpu.memory_space<hbm>>
      %dma_start3A_208 = arith.constant 0 : i32
      %dma_start3A_209 = tpu.memref_slice %arg4[%add3A_204, %mul3A_2, %dma_start3A_208] : memref<200x4096x64xf32, #tpu.memory_space<hbm>> -> memref<1x128x64xf32, #tpu.memory_space<hbm>>
      %dma_start3A_210 = tpu.memref_squeeze %dma_start3A_209 : memref<1x128x64xf32, #tpu.memory_space<hbm>> -> memref<128x64xf32, #tpu.memory_space<hbm>>
      tpu.enqueue_dma source(%arg11 : memref<128x64xf32, #tpu.memory_space<vmem>>) target(%dma_start3A_210 : memref<128x64xf32, #tpu.memory_space<hbm>>) target_semaphore(%arg27 : memref<!tpu.dma_semaphore, #tpu.memory_space<semaphore_mem>>)
      %dma_wait3A_211 = arith.constant 0 : i32
      %dma_wait3A_212 = arith.constant 0 : i32
      %dma_wait3A_213 = tpu.memref_slice %arg5[%dma_wait3A_211, %dma_wait3A_212] : memref<200x128xi32, #tpu.memory_space<vmem>> -> memref<1x128xi32, #tpu.memory_space<vmem>>
      %dma_wait3A_214 = tpu.memref_squeeze %dma_wait3A_213 : memref<1x128xi32, #tpu.memory_space<vmem>> -> memref<128xi32, #tpu.memory_space<vmem>>
      %dma_wait3A_215 = arith.constant 0 : i32
      %dma_wait3A_216 = arith.constant 0 : i32
      %dma_wait3A_217 = tpu.memref_slice %arg3[%dma_wait3A_215, %dma_wait3A_216] : memref<1000000x64xf32, #tpu.memory_space<hbm>> -> memref<1000000x64xf32, #tpu.memory_space<hbm>>
      tpu.wait_indirect_dma semaphore(%arg20 : memref<!tpu.dma_semaphore, #tpu.memory_space<semaphore_mem>>) src(%dma_wait3A_217 : memref<1000000x64xf32, #tpu.memory_space<hbm>>) dst(%arg12 : memref<128x64xf32, #tpu.memory_space<vmem>>)
      %add3A_218 = arith.constant 6 : i32
      %add3A_219 = arith.addi %mul3A_120, %add3A_218 : i32
      %dma_start3A_220 = arith.constant 0 : i32
      %dma_start3A_221 = tpu.memref_slice %arg4[%add3A_219, %mul3A_2, %dma_start3A_220] : memref<200x4096x64xf32, #tpu.memory_space<hbm>> -> memref<1x128x64xf32, #tpu.memory_space<hbm>>
      %dma_start3A_222 = tpu.memref_squeeze %dma_start3A_221 : memref<1x128x64xf32, #tpu.memory_space<hbm>> -> memref<128x64xf32, #tpu.memory_space<hbm>>
      %dma_start3A_223 = arith.constant 0 : i32
      %dma_start3A_224 = tpu.memref_slice %arg4[%add3A_219, %mul3A_2, %dma_start3A_223] : memref<200x4096x64xf32, #tpu.memory_space<hbm>> -> memref<1x128x64xf32, #tpu.memory_space<hbm>>
      %dma_start3A_225 = tpu.memref_squeeze %dma_start3A_224 : memref<1x128x64xf32, #tpu.memory_space<hbm>> -> memref<128x64xf32, #tpu.memory_space<hbm>>
      tpu.enqueue_dma source(%arg12 : memref<128x64xf32, #tpu.memory_space<vmem>>) target(%dma_start3A_225 : memref<128x64xf32, #tpu.memory_space<hbm>>) target_semaphore(%arg28 : memref<!tpu.dma_semaphore, #tpu.memory_space<semaphore_mem>>)
      %dma_wait3A_226 = arith.constant 0 : i32
      %dma_wait3A_227 = arith.constant 0 : i32
      %dma_wait3A_228 = tpu.memref_slice %arg5[%dma_wait3A_226, %dma_wait3A_227] : memref<200x128xi32, #tpu.memory_space<vmem>> -> memref<1x128xi32, #tpu.memory_space<vmem>>
      %dma_wait3A_229 = tpu.memref_squeeze %dma_wait3A_228 : memref<1x128xi32, #tpu.memory_space<vmem>> -> memref<128xi32, #tpu.memory_space<vmem>>
      %dma_wait3A_230 = arith.constant 0 : i32
      %dma_wait3A_231 = arith.constant 0 : i32
      %dma_wait3A_232 = tpu.memref_slice %arg3[%dma_wait3A_230, %dma_wait3A_231] : memref<1000000x64xf32, #tpu.memory_space<hbm>> -> memref<1000000x64xf32, #tpu.memory_space<hbm>>
      tpu.wait_indirect_dma semaphore(%arg21 : memref<!tpu.dma_semaphore, #tpu.memory_space<semaphore_mem>>) src(%dma_wait3A_232 : memref<1000000x64xf32, #tpu.memory_space<hbm>>) dst(%arg13 : memref<128x64xf32, #tpu.memory_space<vmem>>)
      %add3A_233 = arith.constant 7 : i32
      %add3A_234 = arith.addi %mul3A_120, %add3A_233 : i32
      %dma_start3A_235 = arith.constant 0 : i32
      %dma_start3A_236 = tpu.memref_slice %arg4[%add3A_234, %mul3A_2, %dma_start3A_235] : memref<200x4096x64xf32, #tpu.memory_space<hbm>> -> memref<1x128x64xf32, #tpu.memory_space<hbm>>
      %dma_start3A_237 = tpu.memref_squeeze %dma_start3A_236 : memref<1x128x64xf32, #tpu.memory_space<hbm>> -> memref<128x64xf32, #tpu.memory_space<hbm>>
      %dma_start3A_238 = arith.constant 0 : i32
      %dma_start3A_239 = tpu.memref_slice %arg4[%add3A_234, %mul3A_2, %dma_start3A_238] : memref<200x4096x64xf32, #tpu.memory_space<hbm>> -> memref<1x128x64xf32, #tpu.memory_space<hbm>>
      %dma_start3A_240 = tpu.memref_squeeze %dma_start3A_239 : memref<1x128x64xf32, #tpu.memory_space<hbm>> -> memref<128x64xf32, #tpu.memory_space<hbm>>
      tpu.enqueue_dma source(%arg13 : memref<128x64xf32, #tpu.memory_space<vmem>>) target(%dma_start3A_240 : memref<128x64xf32, #tpu.memory_space<hbm>>) target_semaphore(%arg29 : memref<!tpu.dma_semaphore, #tpu.memory_space<semaphore_mem>>)
      %add3A_241 = arith.constant 1 : i32
      %add3A_242 = arith.addi %scan3A_118, %add3A_241 : i32
      %lt3A = arith.constant 25 : i32
      %lt3A_243 = arith.cmpi slt, %add3A_242, %lt3A : i32
      %convert_element_type3A = arith.extui %lt3A_243 : i1 to i32
      %cond3A = arith.constant 0 : i32
      %cond3A_244 = arith.cmpi ne, %convert_element_type3A, %cond3A : i32
      scf.if %cond3A_244 {
        %dma_wait3A_245 = arith.constant 0 : i32
        %dma_wait3A_246 = arith.constant 0 : i32
        %dma_wait3A_247 = tpu.memref_slice %arg4[%dma_wait3A_245, %mul3A_2, %dma_wait3A_246] : memref<200x4096x64xf32, #tpu.memory_space<hbm>> -> memref<1x128x64xf32, #tpu.memory_space<hbm>>
        %dma_wait3A_248 = tpu.memref_squeeze %dma_wait3A_247 : memref<1x128x64xf32, #tpu.memory_space<hbm>> -> memref<128x64xf32, #tpu.memory_space<hbm>>
        %dma_wait3A_249 = arith.constant 0 : i32
        %dma_wait3A_250 = tpu.memref_slice %arg4[%dma_wait3A_245, %mul3A_2, %dma_wait3A_249] : memref<200x4096x64xf32, #tpu.memory_space<hbm>> -> memref<1x128x64xf32, #tpu.memory_space<hbm>>
        %dma_wait3A_251 = tpu.memref_squeeze %dma_wait3A_250 : memref<1x128x64xf32, #tpu.memory_space<hbm>> -> memref<128x64xf32, #tpu.memory_space<hbm>>
        tpu.wait_dma2 semaphore(%arg22 : memref<!tpu.dma_semaphore, #tpu.memory_space<semaphore_mem>>) src(%arg6 : memref<128x64xf32, #tpu.memory_space<vmem>>) dst(%dma_wait3A_251 : memref<128x64xf32, #tpu.memory_space<hbm>>)
        %add3A_252 = arith.constant 8 : i32
        %add3A_253 = arith.addi %mul3A_120, %add3A_252 : i32
        %add3A_254 = arith.constant 0 : i32
        %add3A_255 = arith.addi %add3A_253, %add3A_254 : i32
        %dma_start3A_256 = arith.constant 0 : i32
        %dma_start3A_257 = tpu.memref_slice %arg5[%add3A_255, %dma_start3A_256] : memref<200x128xi32, #tpu.memory_space<vmem>> -> memref<1x128xi32, #tpu.memory_space<vmem>>
        %dma_start3A_258 = tpu.memref_squeeze %dma_start3A_257 : memref<1x128xi32, #tpu.memory_space<vmem>> -> memref<128xi32, #tpu.memory_space<vmem>>
        %dma_start3A_259 = arith.constant 0 : i32
        %dma_start3A_260 = arith.constant 0 : i32
        %dma_start3A_261 = tpu.memref_slice %arg3[%dma_start3A_259, %dma_start3A_260] : memref<1000000x64xf32, #tpu.memory_space<hbm>> -> memref<1000000x64xf32, #tpu.memory_space<hbm>>
        tpu.enqueue_indirect_dma source(%dma_start3A_261 : memref<1000000x64xf32, #tpu.memory_space<hbm>>) target(%arg6 : memref<128x64xf32, #tpu.memory_space<vmem>>) offsets(%dma_start3A_258 : memref<128xi32, #tpu.memory_space<vmem>>) semaphore(%arg14 : memref<!tpu.dma_semaphore, #tpu.memory_space<semaphore_mem>>)
        %dma_wait3A_262 = arith.constant 0 : i32
        %dma_wait3A_263 = arith.constant 0 : i32
        %dma_wait3A_264 = tpu.memref_slice %arg4[%dma_wait3A_262, %mul3A_2, %dma_wait3A_263] : memref<200x4096x64xf32, #tpu.memory_space<hbm>> -> memref<1x128x64xf32, #tpu.memory_space<hbm>>
        %dma_wait3A_265 = tpu.memref_squeeze %dma_wait3A_264 : memref<1x128x64xf32, #tpu.memory_space<hbm>> -> memref<128x64xf32, #tpu.memory_space<hbm>>
        %dma_wait3A_266 = arith.constant 0 : i32
        %dma_wait3A_267 = tpu.memref_slice %arg4[%dma_wait3A_262, %mul3A_2, %dma_wait3A_266] : memref<200x4096x64xf32, #tpu.memory_space<hbm>> -> memref<1x128x64xf32, #tpu.memory_space<hbm>>
        %dma_wait3A_268 = tpu.memref_squeeze %dma_wait3A_267 : memref<1x128x64xf32, #tpu.memory_space<hbm>> -> memref<128x64xf32, #tpu.memory_space<hbm>>
        tpu.wait_dma2 semaphore(%arg23 : memref<!tpu.dma_semaphore, #tpu.memory_space<semaphore_mem>>) src(%arg7 : memref<128x64xf32, #tpu.memory_space<vmem>>) dst(%dma_wait3A_268 : memref<128x64xf32, #tpu.memory_space<hbm>>)
        %add3A_269 = arith.constant 8 : i32
        %add3A_270 = arith.addi %mul3A_120, %add3A_269 : i32
        %add3A_271 = arith.constant 1 : i32
        %add3A_272 = arith.addi %add3A_270, %add3A_271 : i32
        %dma_start3A_273 = arith.constant 0 : i32
        %dma_start3A_274 = tpu.memref_slice %arg5[%add3A_272, %dma_start3A_273] : memref<200x128xi32, #tpu.memory_space<vmem>> -> memref<1x128xi32, #tpu.memory_space<vmem>>
        %dma_start3A_275 = tpu.memref_squeeze %dma_start3A_274 : memref<1x128xi32, #tpu.memory_space<vmem>> -> memref<128xi32, #tpu.memory_space<vmem>>
        %dma_start3A_276 = arith.constant 0 : i32
        %dma_start3A_277 = arith.constant 0 : i32
        %dma_start3A_278 = tpu.memref_slice %arg3[%dma_start3A_276, %dma_start3A_277] : memref<1000000x64xf32, #tpu.memory_space<hbm>> -> memref<1000000x64xf32, #tpu.memory_space<hbm>>
        tpu.enqueue_indirect_dma source(%dma_start3A_278 : memref<1000000x64xf32, #tpu.memory_space<hbm>>) target(%arg7 : memref<128x64xf32, #tpu.memory_space<vmem>>) offsets(%dma_start3A_275 : memref<128xi32, #tpu.memory_space<vmem>>) semaphore(%arg15 : memref<!tpu.dma_semaphore, #tpu.memory_space<semaphore_mem>>)
        %dma_wait3A_279 = arith.constant 0 : i32
        %dma_wait3A_280 = arith.constant 0 : i32
        %dma_wait3A_281 = tpu.memref_slice %arg4[%dma_wait3A_279, %mul3A_2, %dma_wait3A_280] : memref<200x4096x64xf32, #tpu.memory_space<hbm>> -> memref<1x128x64xf32, #tpu.memory_space<hbm>>
        %dma_wait3A_282 = tpu.memref_squeeze %dma_wait3A_281 : memref<1x128x64xf32, #tpu.memory_space<hbm>> -> memref<128x64xf32, #tpu.memory_space<hbm>>
        %dma_wait3A_283 = arith.constant 0 : i32
        %dma_wait3A_284 = tpu.memref_slice %arg4[%dma_wait3A_279, %mul3A_2, %dma_wait3A_283] : memref<200x4096x64xf32, #tpu.memory_space<hbm>> -> memref<1x128x64xf32, #tpu.memory_space<hbm>>
        %dma_wait3A_285 = tpu.memref_squeeze %dma_wait3A_284 : memref<1x128x64xf32, #tpu.memory_space<hbm>> -> memref<128x64xf32, #tpu.memory_space<hbm>>
        tpu.wait_dma2 semaphore(%arg24 : memref<!tpu.dma_semaphore, #tpu.memory_space<semaphore_mem>>) src(%arg8 : memref<128x64xf32, #tpu.memory_space<vmem>>) dst(%dma_wait3A_285 : memref<128x64xf32, #tpu.memory_space<hbm>>)
        %add3A_286 = arith.constant 8 : i32
        %add3A_287 = arith.addi %mul3A_120, %add3A_286 : i32
        %add3A_288 = arith.constant 2 : i32
        %add3A_289 = arith.addi %add3A_287, %add3A_288 : i32
        %dma_start3A_290 = arith.constant 0 : i32
        %dma_start3A_291 = tpu.memref_slice %arg5[%add3A_289, %dma_start3A_290] : memref<200x128xi32, #tpu.memory_space<vmem>> -> memref<1x128xi32, #tpu.memory_space<vmem>>
        %dma_start3A_292 = tpu.memref_squeeze %dma_start3A_291 : memref<1x128xi32, #tpu.memory_space<vmem>> -> memref<128xi32, #tpu.memory_space<vmem>>
        %dma_start3A_293 = arith.constant 0 : i32
        %dma_start3A_294 = arith.constant 0 : i32
        %dma_start3A_295 = tpu.memref_slice %arg3[%dma_start3A_293, %dma_start3A_294] : memref<1000000x64xf32, #tpu.memory_space<hbm>> -> memref<1000000x64xf32, #tpu.memory_space<hbm>>
        tpu.enqueue_indirect_dma source(%dma_start3A_295 : memref<1000000x64xf32, #tpu.memory_space<hbm>>) target(%arg8 : memref<128x64xf32, #tpu.memory_space<vmem>>) offsets(%dma_start3A_292 : memref<128xi32, #tpu.memory_space<vmem>>) semaphore(%arg16 : memref<!tpu.dma_semaphore, #tpu.memory_space<semaphore_mem>>)
        %dma_wait3A_296 = arith.constant 0 : i32
        %dma_wait3A_297 = arith.constant 0 : i32
        %dma_wait3A_298 = tpu.memref_slice %arg4[%dma_wait3A_296, %mul3A_2, %dma_wait3A_297] : memref<200x4096x64xf32, #tpu.memory_space<hbm>> -> memref<1x128x64xf32, #tpu.memory_space<hbm>>
        %dma_wait3A_299 = tpu.memref_squeeze %dma_wait3A_298 : memref<1x128x64xf32, #tpu.memory_space<hbm>> -> memref<128x64xf32, #tpu.memory_space<hbm>>
        %dma_wait3A_300 = arith.constant 0 : i32
        %dma_wait3A_301 = tpu.memref_slice %arg4[%dma_wait3A_296, %mul3A_2, %dma_wait3A_300] : memref<200x4096x64xf32, #tpu.memory_space<hbm>> -> memref<1x128x64xf32, #tpu.memory_space<hbm>>
        %dma_wait3A_302 = tpu.memref_squeeze %dma_wait3A_301 : memref<1x128x64xf32, #tpu.memory_space<hbm>> -> memref<128x64xf32, #tpu.memory_space<hbm>>
        tpu.wait_dma2 semaphore(%arg25 : memref<!tpu.dma_semaphore, #tpu.memory_space<semaphore_mem>>) src(%arg9 : memref<128x64xf32, #tpu.memory_space<vmem>>) dst(%dma_wait3A_302 : memref<128x64xf32, #tpu.memory_space<hbm>>)
        %add3A_303 = arith.constant 8 : i32
        %add3A_304 = arith.addi %mul3A_120, %add3A_303 : i32
        %add3A_305 = arith.constant 3 : i32
        %add3A_306 = arith.addi %add3A_304, %add3A_305 : i32
        %dma_start3A_307 = arith.constant 0 : i32
        %dma_start3A_308 = tpu.memref_slice %arg5[%add3A_306, %dma_start3A_307] : memref<200x128xi32, #tpu.memory_space<vmem>> -> memref<1x128xi32, #tpu.memory_space<vmem>>
        %dma_start3A_309 = tpu.memref_squeeze %dma_start3A_308 : memref<1x128xi32, #tpu.memory_space<vmem>> -> memref<128xi32, #tpu.memory_space<vmem>>
        %dma_start3A_310 = arith.constant 0 : i32
        %dma_start3A_311 = arith.constant 0 : i32
        %dma_start3A_312 = tpu.memref_slice %arg3[%dma_start3A_310, %dma_start3A_311] : memref<1000000x64xf32, #tpu.memory_space<hbm>> -> memref<1000000x64xf32, #tpu.memory_space<hbm>>
        tpu.enqueue_indirect_dma source(%dma_start3A_312 : memref<1000000x64xf32, #tpu.memory_space<hbm>>) target(%arg9 : memref<128x64xf32, #tpu.memory_space<vmem>>) offsets(%dma_start3A_309 : memref<128xi32, #tpu.memory_space<vmem>>) semaphore(%arg17 : memref<!tpu.dma_semaphore, #tpu.memory_space<semaphore_mem>>)
        %dma_wait3A_313 = arith.constant 0 : i32
        %dma_wait3A_314 = arith.constant 0 : i32
        %dma_wait3A_315 = tpu.memref_slice %arg4[%dma_wait3A_313, %mul3A_2, %dma_wait3A_314] : memref<200x4096x64xf32, #tpu.memory_space<hbm>> -> memref<1x128x64xf32, #tpu.memory_space<hbm>>
        %dma_wait3A_316 = tpu.memref_squeeze %dma_wait3A_315 : memref<1x128x64xf32, #tpu.memory_space<hbm>> -> memref<128x64xf32, #tpu.memory_space<hbm>>
        %dma_wait3A_317 = arith.constant 0 : i32
        %dma_wait3A_318 = tpu.memref_slice %arg4[%dma_wait3A_313, %mul3A_2, %dma_wait3A_317] : memref<200x4096x64xf32, #tpu.memory_space<hbm>> -> memref<1x128x64xf32, #tpu.memory_space<hbm>>
        %dma_wait3A_319 = tpu.memref_squeeze %dma_wait3A_318 : memref<1x128x64xf32, #tpu.memory_space<hbm>> -> memref<128x64xf32, #tpu.memory_space<hbm>>
        tpu.wait_dma2 semaphore(%arg26 : memref<!tpu.dma_semaphore, #tpu.memory_space<semaphore_mem>>) src(%arg10 : memref<128x64xf32, #tpu.memory_space<vmem>>) dst(%dma_wait3A_319 : memref<128x64xf32, #tpu.memory_space<hbm>>)
        %add3A_320 = arith.constant 8 : i32
        %add3A_321 = arith.addi %mul3A_120, %add3A_320 : i32
        %add3A_322 = arith.constant 4 : i32
        %add3A_323 = arith.addi %add3A_321, %add3A_322 : i32
        %dma_start3A_324 = arith.constant 0 : i32
        %dma_start3A_325 = tpu.memref_slice %arg5[%add3A_323, %dma_start3A_324] : memref<200x128xi32, #tpu.memory_space<vmem>> -> memref<1x128xi32, #tpu.memory_space<vmem>>
        %dma_start3A_326 = tpu.memref_squeeze %dma_start3A_325 : memref<1x128xi32, #tpu.memory_space<vmem>> -> memref<128xi32, #tpu.memory_space<vmem>>
        %dma_start3A_327 = arith.constant 0 : i32
        %dma_start3A_328 = arith.constant 0 : i32
        %dma_start3A_329 = tpu.memref_slice %arg3[%dma_start3A_327, %dma_start3A_328] : memref<1000000x64xf32, #tpu.memory_space<hbm>> -> memref<1000000x64xf32, #tpu.memory_space<hbm>>
        tpu.enqueue_indirect_dma source(%dma_start3A_329 : memref<1000000x64xf32, #tpu.memory_space<hbm>>) target(%arg10 : memref<128x64xf32, #tpu.memory_space<vmem>>) offsets(%dma_start3A_326 : memref<128xi32, #tpu.memory_space<vmem>>) semaphore(%arg18 : memref<!tpu.dma_semaphore, #tpu.memory_space<semaphore_mem>>)
        %dma_wait3A_330 = arith.constant 0 : i32
        %dma_wait3A_331 = arith.constant 0 : i32
        %dma_wait3A_332 = tpu.memref_slice %arg4[%dma_wait3A_330, %mul3A_2, %dma_wait3A_331] : memref<200x4096x64xf32, #tpu.memory_space<hbm>> -> memref<1x128x64xf32, #tpu.memory_space<hbm>>
        %dma_wait3A_333 = tpu.memref_squeeze %dma_wait3A_332 : memref<1x128x64xf32, #tpu.memory_space<hbm>> -> memref<128x64xf32, #tpu.memory_space<hbm>>
        %dma_wait3A_334 = arith.constant 0 : i32
        %dma_wait3A_335 = tpu.memref_slice %arg4[%dma_wait3A_330, %mul3A_2, %dma_wait3A_334] : memref<200x4096x64xf32, #tpu.memory_space<hbm>> -> memref<1x128x64xf32, #tpu.memory_space<hbm>>
        %dma_wait3A_336 = tpu.memref_squeeze %dma_wait3A_335 : memref<1x128x64xf32, #tpu.memory_space<hbm>> -> memref<128x64xf32, #tpu.memory_space<hbm>>
        tpu.wait_dma2 semaphore(%arg27 : memref<!tpu.dma_semaphore, #tpu.memory_space<semaphore_mem>>) src(%arg11 : memref<128x64xf32, #tpu.memory_space<vmem>>) dst(%dma_wait3A_336 : memref<128x64xf32, #tpu.memory_space<hbm>>)
        %add3A_337 = arith.constant 8 : i32
        %add3A_338 = arith.addi %mul3A_120, %add3A_337 : i32
        %add3A_339 = arith.constant 5 : i32
        %add3A_340 = arith.addi %add3A_338, %add3A_339 : i32
        %dma_start3A_341 = arith.constant 0 : i32
        %dma_start3A_342 = tpu.memref_slice %arg5[%add3A_340, %dma_start3A_341] : memref<200x128xi32, #tpu.memory_space<vmem>> -> memref<1x128xi32, #tpu.memory_space<vmem>>
        %dma_start3A_343 = tpu.memref_squeeze %dma_start3A_342 : memref<1x128xi32, #tpu.memory_space<vmem>> -> memref<128xi32, #tpu.memory_space<vmem>>
        %dma_start3A_344 = arith.constant 0 : i32
        %dma_start3A_345 = arith.constant 0 : i32
        %dma_start3A_346 = tpu.memref_slice %arg3[%dma_start3A_344, %dma_start3A_345] : memref<1000000x64xf32, #tpu.memory_space<hbm>> -> memref<1000000x64xf32, #tpu.memory_space<hbm>>
        tpu.enqueue_indirect_dma source(%dma_start3A_346 : memref<1000000x64xf32, #tpu.memory_space<hbm>>) target(%arg11 : memref<128x64xf32, #tpu.memory_space<vmem>>) offsets(%dma_start3A_343 : memref<128xi32, #tpu.memory_space<vmem>>) semaphore(%arg19 : memref<!tpu.dma_semaphore, #tpu.memory_space<semaphore_mem>>)
        %dma_wait3A_347 = arith.constant 0 : i32
        %dma_wait3A_348 = arith.constant 0 : i32
        %dma_wait3A_349 = tpu.memref_slice %arg4[%dma_wait3A_347, %mul3A_2, %dma_wait3A_348] : memref<200x4096x64xf32, #tpu.memory_space<hbm>> -> memref<1x128x64xf32, #tpu.memory_space<hbm>>
        %dma_wait3A_350 = tpu.memref_squeeze %dma_wait3A_349 : memref<1x128x64xf32, #tpu.memory_space<hbm>> -> memref<128x64xf32, #tpu.memory_space<hbm>>
        %dma_wait3A_351 = arith.constant 0 : i32
        %dma_wait3A_352 = tpu.memref_slice %arg4[%dma_wait3A_347, %mul3A_2, %dma_wait3A_351] : memref<200x4096x64xf32, #tpu.memory_space<hbm>> -> memref<1x128x64xf32, #tpu.memory_space<hbm>>
        %dma_wait3A_353 = tpu.memref_squeeze %dma_wait3A_352 : memref<1x128x64xf32, #tpu.memory_space<hbm>> -> memref<128x64xf32, #tpu.memory_space<hbm>>
        tpu.wait_dma2 semaphore(%arg28 : memref<!tpu.dma_semaphore, #tpu.memory_space<semaphore_mem>>) src(%arg12 : memref<128x64xf32, #tpu.memory_space<vmem>>) dst(%dma_wait3A_353 : memref<128x64xf32, #tpu.memory_space<hbm>>)
        %add3A_354 = arith.constant 8 : i32
        %add3A_355 = arith.addi %mul3A_120, %add3A_354 : i32
        %add3A_356 = arith.constant 6 : i32
        %add3A_357 = arith.addi %add3A_355, %add3A_356 : i32
        %dma_start3A_358 = arith.constant 0 : i32
        %dma_start3A_359 = tpu.memref_slice %arg5[%add3A_357, %dma_start3A_358] : memref<200x128xi32, #tpu.memory_space<vmem>> -> memref<1x128xi32, #tpu.memory_space<vmem>>
        %dma_start3A_360 = tpu.memref_squeeze %dma_start3A_359 : memref<1x128xi32, #tpu.memory_space<vmem>> -> memref<128xi32, #tpu.memory_space<vmem>>
        %dma_start3A_361 = arith.constant 0 : i32
        %dma_start3A_362 = arith.constant 0 : i32
        %dma_start3A_363 = tpu.memref_slice %arg3[%dma_start3A_361, %dma_start3A_362] : memref<1000000x64xf32, #tpu.memory_space<hbm>> -> memref<1000000x64xf32, #tpu.memory_space<hbm>>
        tpu.enqueue_indirect_dma source(%dma_start3A_363 : memref<1000000x64xf32, #tpu.memory_space<hbm>>) target(%arg12 : memref<128x64xf32, #tpu.memory_space<vmem>>) offsets(%dma_start3A_360 : memref<128xi32, #tpu.memory_space<vmem>>) semaphore(%arg20 : memref<!tpu.dma_semaphore, #tpu.memory_space<semaphore_mem>>)
        %dma_wait3A_364 = arith.constant 0 : i32
        %dma_wait3A_365 = arith.constant 0 : i32
        %dma_wait3A_366 = tpu.memref_slice %arg4[%dma_wait3A_364, %mul3A_2, %dma_wait3A_365] : memref<200x4096x64xf32, #tpu.memory_space<hbm>> -> memref<1x128x64xf32, #tpu.memory_space<hbm>>
        %dma_wait3A_367 = tpu.memref_squeeze %dma_wait3A_366 : memref<1x128x64xf32, #tpu.memory_space<hbm>> -> memref<128x64xf32, #tpu.memory_space<hbm>>
        %dma_wait3A_368 = arith.constant 0 : i32
        %dma_wait3A_369 = tpu.memref_slice %arg4[%dma_wait3A_364, %mul3A_2, %dma_wait3A_368] : memref<200x4096x64xf32, #tpu.memory_space<hbm>> -> memref<1x128x64xf32, #tpu.memory_space<hbm>>
        %dma_wait3A_370 = tpu.memref_squeeze %dma_wait3A_369 : memref<1x128x64xf32, #tpu.memory_space<hbm>> -> memref<128x64xf32, #tpu.memory_space<hbm>>
        tpu.wait_dma2 semaphore(%arg29 : memref<!tpu.dma_semaphore, #tpu.memory_space<semaphore_mem>>) src(%arg13 : memref<128x64xf32, #tpu.memory_space<vmem>>) dst(%dma_wait3A_370 : memref<128x64xf32, #tpu.memory_space<hbm>>)
        %add3A_371 = arith.constant 8 : i32
        %add3A_372 = arith.addi %mul3A_120, %add3A_371 : i32
        %add3A_373 = arith.constant 7 : i32
        %add3A_374 = arith.addi %add3A_372, %add3A_373 : i32
        %dma_start3A_375 = arith.constant 0 : i32
        %dma_start3A_376 = tpu.memref_slice %arg5[%add3A_374, %dma_start3A_375] : memref<200x128xi32, #tpu.memory_space<vmem>> -> memref<1x128xi32, #tpu.memory_space<vmem>>
        %dma_start3A_377 = tpu.memref_squeeze %dma_start3A_376 : memref<1x128xi32, #tpu.memory_space<vmem>> -> memref<128xi32, #tpu.memory_space<vmem>>
        %dma_start3A_378 = arith.constant 0 : i32
        %dma_start3A_379 = arith.constant 0 : i32
        %dma_start3A_380 = tpu.memref_slice %arg3[%dma_start3A_378, %dma_start3A_379] : memref<1000000x64xf32, #tpu.memory_space<hbm>> -> memref<1000000x64xf32, #tpu.memory_space<hbm>>
        tpu.enqueue_indirect_dma source(%dma_start3A_380 : memref<1000000x64xf32, #tpu.memory_space<hbm>>) target(%arg13 : memref<128x64xf32, #tpu.memory_space<vmem>>) offsets(%dma_start3A_377 : memref<128xi32, #tpu.memory_space<vmem>>) semaphore(%arg21 : memref<!tpu.dma_semaphore, #tpu.memory_space<semaphore_mem>>)
      } else {
      }
    }
    %scan3A_62 = arith.constant 25 : i32
    %dma_wait3A = arith.constant 0 : i32
    %dma_wait3A_63 = arith.constant 0 : i32
    %dma_wait3A_64 = tpu.memref_slice %arg4[%dma_wait3A, %mul3A_2, %dma_wait3A_63] : memref<200x4096x64xf32, #tpu.memory_space<hbm>> -> memref<1x128x64xf32, #tpu.memory_space<hbm>>
    %dma_wait3A_65 = tpu.memref_squeeze %dma_wait3A_64 : memref<1x128x64xf32, #tpu.memory_space<hbm>> -> memref<128x64xf32, #tpu.memory_space<hbm>>
    %dma_wait3A_66 = arith.constant 0 : i32
    %dma_wait3A_67 = tpu.memref_slice %arg4[%dma_wait3A, %mul3A_2, %dma_wait3A_66] : memref<200x4096x64xf32, #tpu.memory_space<hbm>> -> memref<1x128x64xf32, #tpu.memory_space<hbm>>
    %dma_wait3A_68 = tpu.memref_squeeze %dma_wait3A_67 : memref<1x128x64xf32, #tpu.memory_space<hbm>> -> memref<128x64xf32, #tpu.memory_space<hbm>>
    tpu.wait_dma2 semaphore(%arg22 : memref<!tpu.dma_semaphore, #tpu.memory_space<semaphore_mem>>) src(%arg6 : memref<128x64xf32, #tpu.memory_space<vmem>>) dst(%dma_wait3A_68 : memref<128x64xf32, #tpu.memory_space<hbm>>)
    %dma_wait3A_69 = arith.constant 0 : i32
    %dma_wait3A_70 = arith.constant 0 : i32
    %dma_wait3A_71 = tpu.memref_slice %arg4[%dma_wait3A_69, %mul3A_2, %dma_wait3A_70] : memref<200x4096x64xf32, #tpu.memory_space<hbm>> -> memref<1x128x64xf32, #tpu.memory_space<hbm>>
    %dma_wait3A_72 = tpu.memref_squeeze %dma_wait3A_71 : memref<1x128x64xf32, #tpu.memory_space<hbm>> -> memref<128x64xf32, #tpu.memory_space<hbm>>
    %dma_wait3A_73 = arith.constant 0 : i32
    %dma_wait3A_74 = tpu.memref_slice %arg4[%dma_wait3A_69, %mul3A_2, %dma_wait3A_73] : memref<200x4096x64xf32, #tpu.memory_space<hbm>> -> memref<1x128x64xf32, #tpu.memory_space<hbm>>
    %dma_wait3A_75 = tpu.memref_squeeze %dma_wait3A_74 : memref<1x128x64xf32, #tpu.memory_space<hbm>> -> memref<128x64xf32, #tpu.memory_space<hbm>>
    tpu.wait_dma2 semaphore(%arg23 : memref<!tpu.dma_semaphore, #tpu.memory_space<semaphore_mem>>) src(%arg7 : memref<128x64xf32, #tpu.memory_space<vmem>>) dst(%dma_wait3A_75 : memref<128x64xf32, #tpu.memory_space<hbm>>)
    %dma_wait3A_76 = arith.constant 0 : i32
    %dma_wait3A_77 = arith.constant 0 : i32
    %dma_wait3A_78 = tpu.memref_slice %arg4[%dma_wait3A_76, %mul3A_2, %dma_wait3A_77] : memref<200x4096x64xf32, #tpu.memory_space<hbm>> -> memref<1x128x64xf32, #tpu.memory_space<hbm>>
    %dma_wait3A_79 = tpu.memref_squeeze %dma_wait3A_78 : memref<1x128x64xf32, #tpu.memory_space<hbm>> -> memref<128x64xf32, #tpu.memory_space<hbm>>
    %dma_wait3A_80 = arith.constant 0 : i32
    %dma_wait3A_81 = tpu.memref_slice %arg4[%dma_wait3A_76, %mul3A_2, %dma_wait3A_80] : memref<200x4096x64xf32, #tpu.memory_space<hbm>> -> memref<1x128x64xf32, #tpu.memory_space<hbm>>
    %dma_wait3A_82 = tpu.memref_squeeze %dma_wait3A_81 : memref<1x128x64xf32, #tpu.memory_space<hbm>> -> memref<128x64xf32, #tpu.memory_space<hbm>>
    tpu.wait_dma2 semaphore(%arg24 : memref<!tpu.dma_semaphore, #tpu.memory_space<semaphore_mem>>) src(%arg8 : memref<128x64xf32, #tpu.memory_space<vmem>>) dst(%dma_wait3A_82 : memref<128x64xf32, #tpu.memory_space<hbm>>)
    %dma_wait3A_83 = arith.constant 0 : i32
    %dma_wait3A_84 = arith.constant 0 : i32
    %dma_wait3A_85 = tpu.memref_slice %arg4[%dma_wait3A_83, %mul3A_2, %dma_wait3A_84] : memref<200x4096x64xf32, #tpu.memory_space<hbm>> -> memref<1x128x64xf32, #tpu.memory_space<hbm>>
    %dma_wait3A_86 = tpu.memref_squeeze %dma_wait3A_85 : memref<1x128x64xf32, #tpu.memory_space<hbm>> -> memref<128x64xf32, #tpu.memory_space<hbm>>
    %dma_wait3A_87 = arith.constant 0 : i32
    %dma_wait3A_88 = tpu.memref_slice %arg4[%dma_wait3A_83, %mul3A_2, %dma_wait3A_87] : memref<200x4096x64xf32, #tpu.memory_space<hbm>> -> memref<1x128x64xf32, #tpu.memory_space<hbm>>
    %dma_wait3A_89 = tpu.memref_squeeze %dma_wait3A_88 : memref<1x128x64xf32, #tpu.memory_space<hbm>> -> memref<128x64xf32, #tpu.memory_space<hbm>>
    tpu.wait_dma2 semaphore(%arg25 : memref<!tpu.dma_semaphore, #tpu.memory_space<semaphore_mem>>) src(%arg9 : memref<128x64xf32, #tpu.memory_space<vmem>>) dst(%dma_wait3A_89 : memref<128x64xf32, #tpu.memory_space<hbm>>)
    %dma_wait3A_90 = arith.constant 0 : i32
    %dma_wait3A_91 = arith.constant 0 : i32
    %dma_wait3A_92 = tpu.memref_slice %arg4[%dma_wait3A_90, %mul3A_2, %dma_wait3A_91] : memref<200x4096x64xf32, #tpu.memory_space<hbm>> -> memref<1x128x64xf32, #tpu.memory_space<hbm>>
    %dma_wait3A_93 = tpu.memref_squeeze %dma_wait3A_92 : memref<1x128x64xf32, #tpu.memory_space<hbm>> -> memref<128x64xf32, #tpu.memory_space<hbm>>
    %dma_wait3A_94 = arith.constant 0 : i32
    %dma_wait3A_95 = tpu.memref_slice %arg4[%dma_wait3A_90, %mul3A_2, %dma_wait3A_94] : memref<200x4096x64xf32, #tpu.memory_space<hbm>> -> memref<1x128x64xf32, #tpu.memory_space<hbm>>
    %dma_wait3A_96 = tpu.memref_squeeze %dma_wait3A_95 : memref<1x128x64xf32, #tpu.memory_space<hbm>> -> memref<128x64xf32, #tpu.memory_space<hbm>>
    tpu.wait_dma2 semaphore(%arg26 : memref<!tpu.dma_semaphore, #tpu.memory_space<semaphore_mem>>) src(%arg10 : memref<128x64xf32, #tpu.memory_space<vmem>>) dst(%dma_wait3A_96 : memref<128x64xf32, #tpu.memory_space<hbm>>)
    %dma_wait3A_97 = arith.constant 0 : i32
    %dma_wait3A_98 = arith.constant 0 : i32
    %dma_wait3A_99 = tpu.memref_slice %arg4[%dma_wait3A_97, %mul3A_2, %dma_wait3A_98] : memref<200x4096x64xf32, #tpu.memory_space<hbm>> -> memref<1x128x64xf32, #tpu.memory_space<hbm>>
    %dma_wait3A_100 = tpu.memref_squeeze %dma_wait3A_99 : memref<1x128x64xf32, #tpu.memory_space<hbm>> -> memref<128x64xf32, #tpu.memory_space<hbm>>
    %dma_wait3A_101 = arith.constant 0 : i32
    %dma_wait3A_102 = tpu.memref_slice %arg4[%dma_wait3A_97, %mul3A_2, %dma_wait3A_101] : memref<200x4096x64xf32, #tpu.memory_space<hbm>> -> memref<1x128x64xf32, #tpu.memory_space<hbm>>
    %dma_wait3A_103 = tpu.memref_squeeze %dma_wait3A_102 : memref<1x128x64xf32, #tpu.memory_space<hbm>> -> memref<128x64xf32, #tpu.memory_space<hbm>>
    tpu.wait_dma2 semaphore(%arg27 : memref<!tpu.dma_semaphore, #tpu.memory_space<semaphore_mem>>) src(%arg11 : memref<128x64xf32, #tpu.memory_space<vmem>>) dst(%dma_wait3A_103 : memref<128x64xf32, #tpu.memory_space<hbm>>)
    %dma_wait3A_104 = arith.constant 0 : i32
    %dma_wait3A_105 = arith.constant 0 : i32
    %dma_wait3A_106 = tpu.memref_slice %arg4[%dma_wait3A_104, %mul3A_2, %dma_wait3A_105] : memref<200x4096x64xf32, #tpu.memory_space<hbm>> -> memref<1x128x64xf32, #tpu.memory_space<hbm>>
    %dma_wait3A_107 = tpu.memref_squeeze %dma_wait3A_106 : memref<1x128x64xf32, #tpu.memory_space<hbm>> -> memref<128x64xf32, #tpu.memory_space<hbm>>
    %dma_wait3A_108 = arith.constant 0 : i32
    %dma_wait3A_109 = tpu.memref_slice %arg4[%dma_wait3A_104, %mul3A_2, %dma_wait3A_108] : memref<200x4096x64xf32, #tpu.memory_space<hbm>> -> memref<1x128x64xf32, #tpu.memory_space<hbm>>
    %dma_wait3A_110 = tpu.memref_squeeze %dma_wait3A_109 : memref<1x128x64xf32, #tpu.memory_space<hbm>> -> memref<128x64xf32, #tpu.memory_space<hbm>>
    tpu.wait_dma2 semaphore(%arg28 : memref<!tpu.dma_semaphore, #tpu.memory_space<semaphore_mem>>) src(%arg12 : memref<128x64xf32, #tpu.memory_space<vmem>>) dst(%dma_wait3A_110 : memref<128x64xf32, #tpu.memory_space<hbm>>)
    %dma_wait3A_111 = arith.constant 0 : i32
    %dma_wait3A_112 = arith.constant 0 : i32
    %dma_wait3A_113 = tpu.memref_slice %arg4[%dma_wait3A_111, %mul3A_2, %dma_wait3A_112] : memref<200x4096x64xf32, #tpu.memory_space<hbm>> -> memref<1x128x64xf32, #tpu.memory_space<hbm>>
    %dma_wait3A_114 = tpu.memref_squeeze %dma_wait3A_113 : memref<1x128x64xf32, #tpu.memory_space<hbm>> -> memref<128x64xf32, #tpu.memory_space<hbm>>
    %dma_wait3A_115 = arith.constant 0 : i32
    %dma_wait3A_116 = tpu.memref_slice %arg4[%dma_wait3A_111, %mul3A_2, %dma_wait3A_115] : memref<200x4096x64xf32, #tpu.memory_space<hbm>> -> memref<1x128x64xf32, #tpu.memory_space<hbm>>
    %dma_wait3A_117 = tpu.memref_squeeze %dma_wait3A_116 : memref<1x128x64xf32, #tpu.memory_space<hbm>> -> memref<128x64xf32, #tpu.memory_space<hbm>>
    tpu.wait_dma2 semaphore(%arg29 : memref<!tpu.dma_semaphore, #tpu.memory_space<semaphore_mem>>) src(%arg13 : memref<128x64xf32, #tpu.memory_space<vmem>>) dst(%dma_wait3A_117 : memref<128x64xf32, #tpu.memory_space<hbm>>)
    return
  }
}

</mosaic_0001>

<sc_bundles>
// kernel: kernel.3.cloned.1.call-start
scs
__scs_entry_jumppad:
0x0: {  	(pc) =	sbr.rel $0x88, $3  }
0x1: {  	(tag) =	ssettag $0x0;
	lr =	simm.s32 $0x1  }
0x2: {  	[smem:$0x3F9F] =	sst lr;
	_ =	strace $0xD0000000  }
0x3: {  	_ = 	snop  }
0x4: {  	_ = 	snop  }
0x5: {  	_ = 	snop  }
0x6: {  	_ = 	snop  }
0x7: {  	_ = 	snop  }
__scs_overlays_trampoline_lowered:
0x8: {  	[smem:$0x3FAE] =	sst s0  }
0x9: {  	[smem:$0x3FAF] =	sst s1  }
0xa: {  	[smem:$0x3FB0] =	sst s2  }
0xb: {  	[smem:$0x3FB1] =	sst s3  }
0xc: {  	[smem:$0x3FB2] =	sst s4  }
0xd: {  	[smem:$0x3FB3] =	sst s5  }
0xe: {  	[smem:$0x3FB4] =	sst s6  }
0xf: {  	[smem:$0x3FB5] =	sst s7  }
0x10: {  	[smem:$0x3FB6] =	sst s8  }
0x11: {  	[smem:$0x3FB7] =	sst s9;
	s0 =	simm.s32 @!p0 $0x0  }
0x12: {  	s1 =	sld [smem:$0x3F9D];
	s0 =	simm.s32 @p0 $0x1  }
0x13: {  	[smem:$0x3FB8] =	sst s0;
	s0 =	simm.s32 @!p1 $0x0  }
0x14: {  	s2 =	sld [smem:$0x3F9C];
	s0 =	simm.s32 @p1 $0x1  }
0x15: {  	[smem:$0x3FB9] =	sst s0;
	s0 =	simm.s32 @!p2 $0x0  }
0x16: {  	s3 =	sld [smem:$0x3FDB];
	s0 =	simm.s32 @p2 $0x1  }
0x17: {  	s4 =	simm.s32 $0x1BF5;
	[smem:$0x3FBB] =	sst s0  }
0x18: {  	s0 =	sld [smem:$0x3F9E];
	_ =	swait.ge [sflag:s4], $0x0  }
0x19: {  	s7 =	sld [smem:$0x3F9F]  }
0x1a: {  	s8 =	sadd.s32 $0xFFFFE003, lr  }
0x1b: {  	s9 =	sadd.s32 $0xFFFFFEF7, lr;
	s5 =	simm.s32 $0xFFFFFFFF;
	p2 =	slt.u32 s8, $0xFFFFF086  }
0x1c: {  	p1 =	slt.u32 s9, $0xF7A;
	s5 =	simm.s32 @!p2 $0x0  }
0x1d: {  	s5 =	simm.s32 @p1 $0x1;
	p0 =	seq.s32 s7, s2  }
0x1e: {  	s7 =	smul.u32 @!p0 $0xF7A, s2;
	p2 =	seq.s32 @!p0 s5, $0x0  }
0x1f: {  	s9 =	smul.u32 $0xF7A, s1;
	s8 =	simm.s32 @!p0 $0x1BF5;
	p2 =	por !p2, p0  }
0x20: {  	[sflag:s8] =	ssyncset.s32 @!p0 $0xFFFFF086;
	s6 =	sadd.s32 @!p0 s3, s7;
	s7 =	simm.s32 @!p0 $0x108  }
0x21: {  	s3 =	sadd.s32 s3, s9;
	s6 =	sadd.s32 @!p0 $0x88, s6;
	s7 =	simm.s32 @p2 $0x1082  }
0x22: {  	[simem:s7], [sflag:s8] =	dma.local @!p0 [hbm:s6], $0xF7A  }
0x23: {  	s9 =	sor.u32 $0xD0000000, s2;
	s6 =	simm.s32 $0x108;
	_ =	swait.ge @!p0 [sflag:s8], $0x0  }
0x24: {  	s3 =	sadd.s32 $0x88, s3;
	s6 =	simm.s32 @!p1 $0x1082;
	[sflag:s4] =	ssyncset.s32 $0xFFFFF086  }
0x25: {  	[simem:s6], [sflag:s4] =	dma.local [hbm:s3], $0xF7A  }
0x26: {  	[smem:$0x3F9F] =	sst s1;
	(tag) =	ssettag s2;
	_ =	strace s9  }
0x27: {  	s1 =	sld [smem:$0x3FAF]  }
0x28: {  	s2 =	sld [smem:$0x3FB0]  }
0x29: {  	s4 =	sld [smem:$0x3FB2]  }
0x2a: {  	p0 =	seq.s32 s5, $0x0;
	s5 =	sld [smem:$0x3FB3]  }
0x2b: {  	s6 =	sld [smem:$0x3FB4]  }
0x2c: {  	s7 =	sld [smem:$0x3FB5]  }
0x2d: {  	s3 =	simm.s32 $0x108;
	s8 =	sld [smem:$0x3FB6]  }
0x2e: {  	s3 =	simm.s32 @!p0 $0x1082;
	s9 =	sld [smem:$0x3FB7]  }
0x2f: {  	lr =	sadd.s32 s0, s3;
	s0 =	sld [smem:$0x3FAE]  }
0x30: {  	s3 =	sld [smem:$0x3FB1]  }
0x31: {  	[smem:$0x3FBA] =	sst s10  }
0x32: {  	s10 =	sld [smem:$0x3FB8];
	_ =	sdelay $0x3  }
0x33: {  	p0 =	seq.s32 s10, $0x1;
	s10 =	sld [smem:$0x3FBA];
	_ =	sdelay $0x3  }
0x34: {  	[smem:$0x3FBA] =	sst s10  }
0x35: {  	s10 =	sld [smem:$0x3FB9];
	_ =	sdelay $0x3  }
0x36: {  	p1 =	seq.s32 s10, $0x1;
	s10 =	sld [smem:$0x3FBA];
	_ =	sdelay $0x3  }
0x37: {  	[smem:$0x3FBA] =	sst s10  }
0x38: {  	s10 =	sld [smem:$0x3FBB]  }
0x39: {  	_ = 	snop;
	(pc) =	sbr.ind lr, $3  }
0x3a: {  	_ = 	snop  }
0x3b: {  	_ = 	snop  }
0x3c: {  	p2 =	seq.s32 s10, $0x1;
	s10 =	sld [smem:$0x3FBA]  }
0x3d: {  	_ =	shalt  }
0x3e: {  	_ =	shalt  }
0x3f: {  	_ =	shalt  }
0x40: {  	_ =	shalt  }
0x41: {  	_ =	shalt  }
0x42: {  	_ =	shalt  }
0x43: {  	_ =	shalt  }
0x44: {  	_ =	shalt  }
0x45: {  	_ =	shalt  }
0x46: {  	_ =	shalt  }
0x47: {  	_ =	shalt  }
0x48: {  	_ =	shalt  }
0x49: {  	_ =	shalt  }
0x4a: {  	_ =	shalt  }
0x4b: {  	_ =	shalt  }
0x4c: {  	_ =	shalt  }
0x4d: {  	_ =	shalt  }
0x4e: {  	_ =	shalt  }
0x4f: {  	_ =	shalt  }
0x50: {  	_ =	shalt  }
0x51: {  	_ =	shalt  }
0x52: {  	_ =	shalt  }
0x53: {  	_ =	shalt  }
0x54: {  	_ =	shalt  }
0x55: {  	_ =	shalt  }
0x56: {  	_ =	shalt  }
0x57: {  	_ =	shalt  }
0x58: {  	_ =	shalt  }
0x59: {  	_ =	shalt  }
0x5a: {  	_ =	shalt  }
0x5b: {  	_ =	shalt  }
0x5c: {  	_ =	shalt  }
0x5d: {  	_ =	shalt  }
0x5e: {  	_ =	shalt  }
0x5f: {  	_ =	shalt  }
0x60: {  	_ =	shalt  }
0x61: {  	_ =	shalt  }
0x62: {  	_ =	shalt  }
0x63: {  	_ =	shalt  }
0x64: {  	_ =	shalt  }
0x65: {  	_ =	shalt  }
0x66: {  	_ =	shalt  }
0x67: {  	_ =	shalt  }
0x68: {  	_ =	shalt  }
0x69: {  	_ =	shalt  }
0x6a: {  	_ =	shalt  }
0x6b: {  	_ =	shalt  }
0x6c: {  	_ =	shalt  }
0x6d: {  	_ =	shalt  }
0x6e: {  	_ =	shalt  }
0x6f: {  	_ =	shalt  }
0x70: {  	_ =	shalt  }
0x71: {  	_ =	shalt  }
0x72: {  	_ =	shalt  }
0x73: {  	_ =	shalt  }
0x74: {  	_ =	shalt  }
0x75: {  	_ =	shalt  }
0x76: {  	_ =	shalt  }
0x77: {  	_ =	shalt  }
0x78: {  	_ =	shalt  }
0x79: {  	_ =	shalt  }
0x7a: {  	_ =	shalt  }
0x7b: {  	_ =	shalt  }
0x7c: {  	_ =	shalt  }
0x7d: {  	_ =	shalt  }
0x7e: {  	_ =	shalt  }
0x7f: {  	_ =	shalt  }
0x80: {  	_ =	shalt  }
0x81: {  	_ =	shalt  }
0x82: {  	_ =	shalt  }
0x83: {  	_ =	shalt  }
0x84: {  	_ =	shalt  }
0x85: {  	_ =	shalt  }
0x86: {  	_ =	shalt  }
0x87: {  	_ =	shalt  }
.Lfunc_end0:
.L_simem_size_0:
called_computation.1_lowered:
.L_overlay_start_0:
0x88: {  	s2 =	sld [smem:$0x3FD9]  }
0x89: {  	s3 =	sld [smem:$0x3FFE];
	_ =	sdelay $0x1  }
0x8a: {  	s1 =	srdreg.scid  }
0x8b: {  	s0 =	sand.u32 $0x1, s1  }
0x8c: {  	s17 =	sshll.u32 s0, $0xA;
	s2 =	sadd.s32 s3, s2  }
0x8d: {  	s2 =	sadd.s32 s2, s17  }
0x8e: {  	[smem:$0x3FC6] =	sst s2  }
0x8f: {  	_ = 	snop  }
0x90: {  	s2 =	sld [smem:$0x3FD0];
	(tm) =	ssettm $0x1  }
0x91: {  	s18 =	sld [smem:$0x3FFB];
	_ =	sdelay $0x3  }
0x92: {  	_ =	strace s18  }
0x93: {  	s3 =	sld [smem:$0x3FFC];
	_ =	sdelay $0x3  }
0x94: {  	_ =	strace s3  }
0x95: {  	s3 =	sld [smem:$0x3FFD];
	_ =	sdelay $0x3  }
0x96: {  	_ =	strace s3  }
0x97: {  	_ =	strace $0x8FFFFFFF  }
0x98: {  	s19 =	sld [smem:$0x3FDB];
	_ =	sdelay $0x1  }
0x99: {  	s4 =	simm.s32 $_scs_section_size  }
0x9a: {  	s5 =	simm.s32 $_size__tile_overlayer_lowered;
	s6 =	simm.s32 $_tile_overlayer_lowered  }
0x9b: {  	s22 =	simm.s32 $0x1BFF;
	s21 =	sshll.u32 s6, $0x1;
	s3 =	sadd.s32 s4, s19  }
0x9c: {  	s7 =	simm.s32 $0x0;
	s20 =	sshll.u32 s5, $0x1;
	s5 =	sadd.s32 s21, s3  }
0x9d: {  	[timem:s7], [sflag:s22] =	dma.local [hbm:s5], s20  }
0x9e: {  	_ =	swait.ge [sflag:s22], s20  }
0x9f: {  	s4 =	ssub.s32 $0x0, s20;
	[sflag:s22] =	ssyncset.done $0x0  }
0xa0: {  	[sflag:s22] =	ssyncadd.s32 s4;
	_ =	sdelay $0x1  }
0xa1: {  	s23 =	simm.s32 $0x1B8B  }
0xa2: {  	_ =	swait.ge [sflag:s23], $0x1  }
0xa3: {  	[sflag:s23] =	ssyncset.done $0x0  }
0xa4: {  	s25 =	simm.s32 $0x1B8E;
	s24 =	sld [smem:$0x3FFE];
	[sflag:s23] =	ssyncadd.s32 $0xFFFFFFFF  }
0xa5: {  	s26 =	simm.s32 $execute0_lowered;
	[smem:$0x3FD2] =	sst s25  }
0xa6: {  	s5 =	sshll.u32 s26, $0x1;
	_ =	strace $0x80000046;
	[dreg:$0x1] =	wrdreg $0xFFFFFFFF  }
0xa7: {  	s28 =	simm.s32 $_size_execute0_lowered;
	s3 =	sadd.s32 s3, s5;
	[dreg:$0x0] =	wrdreg $0x0  }
0xa8: {  	s5 =	sshll.u32 s28, $0x1;
	[dreg:$0x2] =	wrdreg s3  }
0xa9: {  	[dreg:$0x3] =	wrdreg s5  }
0xaa: {  	[dreg:$0x4] =	wrdreg $0xC0  }
0xab: {  	_ =	task [dreg:s7], $0x5FFFF  }
0xac: {  	[dreg:$0x1] =	wrdreg $0xFFFFFFFF  }
0xad: {  	[dreg:$0x0] =	wrdreg $0x60  }
0xae: {  	[dreg:$0x2] =	wrdreg s24  }
0xaf: {  	[dreg:$0x3] =	wrdreg s2  }
0xb0: {  	[dreg:$0x4] =	wrdreg $0x9  }
0xb1: {  	_ =	task.clear_ibuf [dreg:s7], $0x5FFFF;
	_ =	strace $0x90000046  }
0xb2: {  	s29 =	simm.s32 $0x9;
	_ =	strace $0x80000048  }
0xb3: {  	_ =	swait.ge [sflag:s29], $0x1  }
0xb4: {  	[sflag:s29] =	ssyncadd.s32 $0xFFFFFFFF  }
0xb5: {  	_ =	strace $0x90000048  }
0xb6: {  	_ =	sfence  }
0xb7: {  	s30 =	sld [smem:$0x0];
	_ =	sdelay $0x2  }
0xb8: {  	s31 =	sshll.u32 s1, $0xD;
	s1 =	sshrl.u32 s1, $0x2  }
0xb9: {  	s3 =	sand.u32 $0x4000, s31;
	s1 =	sadd.s32 s1, s30  }
0xba: {  	s0 =	sor.u32 s3, s0;
	s1 =	sshll.u32 s1, $0x11  }
0xbb: {  	s0 =	sor.u32 s1, s0  }
0xbc: {  	s0 =	sadd.s32 $0x8F2B, s0  }
0xbd: {  	[sflag:s0] =	ssyncadd.remote.s32 $0x1  }
0xbe: {  	_ =	sfence.sel $0xFFFF  }
0xbf: {  	[dreg:$0x0] =	wrdreg $0xFFFFFFFF;
	(pc) =	sbr.abs _section_cstart, $3  }
0xc0: {  	[dreg:$0x1] =	wrdreg $0xFFFFFFFF  }
0xc1: {  	_ =	task.clear_ibuf [dreg:s7], $0x2FFFF;
	_ =	strace $0x9FFFFFFF  }
0xc2: {  	(tm) =	ssettm $0x7FFFFFFF  }
0xc3: {  	_ =	shalt  }
tec
execute0_lowered:
.L_overlay_start_1:
0x0: {  	(tag) =	ssettag $0x1  }
0x1: {  	s0 =	srdreg.scid;
	s1 =	rddreg [dreg:$0x0]  }
0x2: {  	s8 =	stileid.u32;
	s4 =	rddreg [dreg:$0x1]  }
0x3: {  	s2 =	simm.s32 $0x0;
	s10 =	simm.s32 $0x6400;
	s11 =	simm.s32 $0x8400  }
0x4: {  	s13 =	simm.s32 $0xA400;
	s15 =	simm.s32 $0xC400;
	s17 =	simm.s32 $0xE400  }
0x5: {  	s19 =	simm.s32 $0x10400;
	s21 =	simm.s32 $0x12400;
	s23 =	simm.s32 $0x14400  }
0x6: {  	s28 =	simm.s32 $0x4;
	s29 =	simm.s32 $0x5;
	s30 =	simm.s32 $0x6  }
0x7: {  	s31 =	simm.s32 $0x7;
	s14 =	simm.s32 $0xC;
	s16 =	simm.s32 $0xD  }
0x8: {  	s18 =	simm.s32 $0xE;
	s20 =	simm.s32 $0xF;
	s22 =	simm.s32 $0x10  }
0x9: {  	s0 =	sand.u32 $0x1, s0;
	s3 =	sshll.u32 s8, $0x8;
	[smem:$0x7FF] =	sst s2  }
0xa: {  	s26 =	sshll.u32 s8, $0xB;
	s5 =	sshll.u32 s0, $0x7;
	s24 =	ssub.s32 $0x2, s0  }
0xb: {  	_ =	strace $0x80000047;
	s4 =	sadd.s32 s26, s4;
	s0 =	sshll.u32 s0, $0xA  }
0xc: {  	s26 =	simm.s32 $0x3;
	s3 =	sor.u32 s5, s3;
	s7 =	sshrl.u32 s24, $0x1  }
0xd: {  	s0 =	sadd.s32 s0, s4;
	s4 =	simm.s32 $0x0;
	s3 =	sshrl.u32 s3, $0x3  }
0xe: {  	s25 =	ssub.s32 s24, s7;
	[dreg:$0x5] =	wrdreg s0;
	s7 =	simm.s32 $0x80  }
0xf: {  	s6 =	sadd.s32 s3, s1;
	s3 =	sadd.s32 $0xF42E00, s1;
	s1 =	smax.u32 s25, $0x1  }
0x10: {  	s24 =	simm.s32 $0x1;
	s6 =	sadd.s32 $0xA00, s6;
	[dreg:$0x4] =	wrdreg s1  }
0x11: {  	s25 =	simm.s32 $0x2;
	s1 =	simm.s32 $0x8;
	[dreg:$0x3] =	wrdreg s6  }
.LBB2_1:
0x12: {  	s0 =	rddreg [dreg:$0x3];
	s5 =	simm.s32 $0x1000;
	s9 =	simm.s32 $0x11  }
0x13: {  	[tilespmem:s2], [sflag:$0x11] =	stream.strided.gather [hbm4b:s0+s7], $0x6400, s5, s7, $0x38;
	[tilespmem:$0x16400] =	vst v63  }
0x14: {  	_ =	swait.ge [sflag:s9], $0x6400  }
0x15: {  	[sflag:s9] =	ssyncset.done $0x0  }
0x16: {  	[sflag:s9] =	ssyncadd.s32 $0xFFFF9C00  }
0x17: {  	[tilespmem:s10], [sflag:$0x1] =	stream.indirect.gather [hbm4b:s3+s7], $0x40, s2, s7, $0xb8;
	[tilespmem:$0x16400] =	vst v63  }
0x18: {  	_ = 	snop  }
0x19: {  	[tilespmem:s11], [sflag:$0x2] =	stream.indirect.gather [hbm4b:s3+s7], $0x40, s7, s7, $0xb8;
	[tilespmem:$0x16400] =	vst v63  }
0x1a: {  	s12 =	simm.s32 $0x100  }
0x1b: {  	[tilespmem:s13], [sflag:$0x3] =	stream.indirect.gather [hbm4b:s3+s7], $0x40, s12, s7, $0xb8;
	[tilespmem:$0x16400] =	vst v63  }
0x1c: {  	s5 =	simm.s32 $0x180  }
0x1d: {  	[tilespmem:s15], [sflag:$0x4] =	stream.indirect.gather [hbm4b:s3+s7], $0x40, s5, s7, $0xb8;
	[tilespmem:$0x16400] =	vst v63  }
0x1e: {  	s6 =	simm.s32 $0x200  }
0x1f: {  	[tilespmem:s17], [sflag:$0x5] =	stream.indirect.gather [hbm4b:s3+s7], $0x40, s6, s7, $0xb8;
	[tilespmem:$0x16400] =	vst v63  }
0x20: {  	s8 =	simm.s32 $0x280  }
0x21: {  	[tilespmem:s19], [sflag:$0x6] =	stream.indirect.gather [hbm4b:s3+s7], $0x40, s8, s7, $0xb8;
	[tilespmem:$0x16400] =	vst v63  }
0x22: {  	s9 =	simm.s32 $0x300  }
0x23: {  	[tilespmem:s21], [sflag:$0x7] =	stream.indirect.gather [hbm4b:s3+s7], $0x40, s9, s7, $0xb8;
	[tilespmem:$0x16400] =	vst v63  }
0x24: {  	s12 =	simm.s32 $0x380;
	s5 =	simm.s32 $0x0;
	s6 =	rddreg [dreg:$0x5]  }
0x25: {  	[tilespmem:s23], [sflag:$0x8] =	stream.indirect.gather [hbm4b:s3+s7], $0x40, s12, s7, $0xb8;
	[tilespmem:$0x16400] =	vst v63  }
.LBB2_2:
0x26: {  	_ =	swait.ge [sflag:s24], $0x2000  }
0x27: {  	[sflag:s24] =	ssyncset.done $0x0  }
0x28: {  	[sflag:s24] =	ssyncadd.s32 $0xFFFFE000  }
0x29: {  	[hbm4b:s6+s2] =	stream.linear.scatter [tilespmem:s10], [sflag:$0x9], $0x2000, $0x38;
	[tilespmem:$0x16400] =	vst v63  }
0x2a: {  	_ =	swait.ge [sflag:s25], $0x2000  }
0x2b: {  	[sflag:s25] =	ssyncset.done $0x0  }
0x2c: {  	s9 =	sadd.s32 $0x8000, s6;
	[sflag:s25] =	ssyncadd.s32 $0xFFFFE000  }
0x2d: {  	[hbm4b:s9+s2] =	stream.linear.scatter [tilespmem:s11], [sflag:$0xA], $0x2000, $0x38;
	[tilespmem:$0x16400] =	vst v63  }
0x2e: {  	_ =	swait.ge [sflag:s26], $0x2000  }
0x2f: {  	[sflag:s26] =	ssyncset.done $0x0  }
0x30: {  	s0 =	sadd.s32 $0x10000, s6;
	[sflag:s26] =	ssyncadd.s32 $0xFFFFE000  }
0x31: {  	[hbm4b:s0+s2] =	stream.linear.scatter [tilespmem:s13], [sflag:$0xB], $0x2000, $0x38;
	[tilespmem:$0x16400] =	vst v63  }
0x32: {  	_ =	swait.ge [sflag:s28], $0x2000  }
0x33: {  	[sflag:s28] =	ssyncset.done $0x0  }
0x34: {  	s8 =	sadd.s32 $0x18000, s6;
	[sflag:s28] =	ssyncadd.s32 $0xFFFFE000  }
0x35: {  	[hbm4b:s8+s2] =	stream.linear.scatter [tilespmem:s15], [sflag:$0xC], $0x2000, $0x38;
	[tilespmem:$0x16400] =	vst v63  }
0x36: {  	_ =	swait.ge [sflag:s29], $0x2000  }
0x37: {  	[sflag:s29] =	ssyncset.done $0x0  }
0x38: {  	s12 =	sadd.s32 $0x20000, s6;
	[sflag:s29] =	ssyncadd.s32 $0xFFFFE000  }
0x39: {  	[hbm4b:s12+s2] =	stream.linear.scatter [tilespmem:s17], [sflag:$0xD], $0x2000, $0x38;
	[tilespmem:$0x16400] =	vst v63  }
0x3a: {  	_ =	swait.ge [sflag:s30], $0x2000  }
0x3b: {  	[sflag:s30] =	ssyncset.done $0x0  }
0x3c: {  	s0 =	sadd.s32 $0x28000, s6;
	[sflag:s30] =	ssyncadd.s32 $0xFFFFE000  }
0x3d: {  	[hbm4b:s0+s2] =	stream.linear.scatter [tilespmem:s19], [sflag:$0xE], $0x2000, $0x38;
	[tilespmem:$0x16400] =	vst v63  }
0x3e: {  	_ =	swait.ge [sflag:s31], $0x2000  }
0x3f: {  	[sflag:s31] =	ssyncset.done $0x0  }
0x40: {  	s8 =	sadd.s32 $0x30000, s6;
	[sflag:s31] =	ssyncadd.s32 $0xFFFFE000  }
0x41: {  	[hbm4b:s8+s2] =	stream.linear.scatter [tilespmem:s21], [sflag:$0xF], $0x2000, $0x38;
	[tilespmem:$0x16400] =	vst v63  }
0x42: {  	_ =	swait.ge [sflag:s1], $0x2000  }
0x43: {  	p0 =	seq.s32 s5, $0x18000;
	[sflag:s1] =	ssyncset.done $0x0  }
0x44: {  	s9 =	simm.s32 @!p0 $0x9;
	s12 =	sadd.s32 $0x38000, s6;
	[sflag:s1] =	ssyncadd.s32 $0xFFFFE000  }
0x45: {  	[hbm4b:s12+s2] =	stream.linear.scatter [tilespmem:s23], [sflag:$0x10], $0x2000, $0x38;
	[tilespmem:$0x16400] =	vst v63  }
0x46: {  	_ =	swait.ge @!p0 [sflag:s9], $0x2000  }
0x47: {  	[sflag:s9] =	ssyncset.done @!p0 $0x0  }
0x48: {  	[sflag:s9] =	ssyncadd.s32 @!p0 $0xFFFFE000;
	s9 =	sshra.s32 @!p0 s5, $0x2  }
0x49: {  	s8 =	simm.s32 @!p0 $0x80;
	s12 =	simm.s32 @!p0 $0x6400;
	s0 =	sadd.s32 @!p0 $0x400, s9  }
0x4a: {  	[tilespmem:s12], [sflag:$0x1] =	stream.indirect.gather @!p0 [hbm4b:s3+s8], $0x40, s0, s8, $0xb8;
	[tilespmem:$0x16400] =	vst v63  }
0x4b: {  	s0 =	simm.s32 @!p0 $0xA  }
0x4c: {  	_ =	swait.ge @!p0 [sflag:s0], $0x2000  }
0x4d: {  	[sflag:s0] =	ssyncset.done @!p0 $0x0  }
0x4e: {  	s12 =	simm.s32 @!p0 $0x8400;
	[sflag:s0] =	ssyncadd.s32 @!p0 $0xFFFFE000;
	s0 =	sadd.s32 @!p0 $0x480, s9  }
0x4f: {  	[tilespmem:s12], [sflag:$0x2] =	stream.indirect.gather @!p0 [hbm4b:s3+s8], $0x40, s0, s8, $0xb8;
	[tilespmem:$0x16400] =	vst v63  }
0x50: {  	s0 =	simm.s32 @!p0 $0xB  }
0x51: {  	_ =	swait.ge @!p0 [sflag:s0], $0x2000  }
0x52: {  	[sflag:s0] =	ssyncset.done @!p0 $0x0  }
0x53: {  	s12 =	simm.s32 @!p0 $0xA400;
	[sflag:s0] =	ssyncadd.s32 @!p0 $0xFFFFE000;
	s0 =	sadd.s32 @!p0 $0x500, s9  }
0x54: {  	[tilespmem:s12], [sflag:$0x3] =	stream.indirect.gather @!p0 [hbm4b:s3+s8], $0x40, s0, s8, $0xb8;
	[tilespmem:$0x16400] =	vst v63  }
0x55: {  	s0 =	simm.s32 @!p0 $0xC  }
0x56: {  	_ =	swait.ge @!p0 [sflag:s0], $0x2000  }
0x57: {  	[sflag:s0] =	ssyncset.done @!p0 $0x0  }
0x58: {  	s12 =	simm.s32 @!p0 $0xC400;
	[sflag:s0] =	ssyncadd.s32 @!p0 $0xFFFFE000;
	s0 =	sadd.s32 @!p0 $0x580, s9  }
0x59: {  	[tilespmem:s12], [sflag:$0x4] =	stream.indirect.gather @!p0 [hbm4b:s3+s8], $0x40, s0, s8, $0xb8;
	[tilespmem:$0x16400] =	vst v63  }
0x5a: {  	s0 =	simm.s32 @!p0 $0xD  }
0x5b: {  	_ =	swait.ge @!p0 [sflag:s0], $0x2000  }
0x5c: {  	[sflag:s0] =	ssyncset.done @!p0 $0x0  }
0x5d: {  	s12 =	simm.s32 @!p0 $0xE400;
	[sflag:s0] =	ssyncadd.s32 @!p0 $0xFFFFE000;
	s0 =	sadd.s32 @!p0 $0x600, s9  }
0x5e: {  	[tilespmem:s12], [sflag:$0x5] =	stream.indirect.gather @!p0 [hbm4b:s3+s8], $0x40, s0, s8, $0xb8;
	[tilespmem:$0x16400] =	vst v63  }
0x5f: {  	s0 =	simm.s32 @!p0 $0xE  }
0x60: {  	_ =	swait.ge @!p0 [sflag:s0], $0x2000  }
0x61: {  	[sflag:s0] =	ssyncset.done @!p0 $0x0  }
0x62: {  	s12 =	simm.s32 @!p0 $0x10400;
	[sflag:s0] =	ssyncadd.s32 @!p0 $0xFFFFE000;
	s0 =	sadd.s32 @!p0 $0x680, s9  }
0x63: {  	[tilespmem:s12], [sflag:$0x6] =	stream.indirect.gather @!p0 [hbm4b:s3+s8], $0x40, s0, s8, $0xb8;
	[tilespmem:$0x16400] =	vst v63  }
0x64: {  	s5 =	sadd.s32 @!p0 $0x1000, s5;
	s0 =	simm.s32 @!p0 $0xF  }
0x65: {  	p1 =	sne.s32 @!p0 s5, $0x19000;
	_ =	swait.ge @!p0 [sflag:s0], $0x2000  }
0x66: {  	p1 =	por p0, !p1;
	[sflag:s0] =	ssyncset.done @!p0 $0x0  }
0x67: {  	s12 =	simm.s32 @!p0 $0x12400;
	[sflag:s0] =	ssyncadd.s32 @!p0 $0xFFFFE000;
	s0 =	sadd.s32 @!p0 $0x700, s9  }
0x68: {  	[tilespmem:s12], [sflag:$0x7] =	stream.indirect.gather @!p0 [hbm4b:s3+s8], $0x40, s0, s8, $0xb8;
	[tilespmem:$0x16400] =	vst v63  }
.Ltmp0:
0x69: {  	s0 =	simm.s32 @!p0 $0x10;
	(pc) =	sbr.rel @!p1 .LBB2_2-.Ltmp0, $4  }
0x6a: {  	_ =	swait.ge @!p0 [sflag:s0], $0x2000  }
0x6b: {  	s6 =	sadd.s32 @!p0 $0x40000, s6;
	[sflag:s0] =	ssyncset.done @!p0 $0x0  }
0x6c: {  	[sflag:s0] =	ssyncadd.s32 @!p0 $0xFFFFE000;
	s0 =	sadd.s32 @!p0 $0x780, s9;
	s9 =	simm.s32 @!p0 $0x14400  }
0x6d: {  	[tilespmem:s9], [sflag:$0x8] =	stream.indirect.gather @!p0 [hbm4b:s3+s8], $0x40, s0, s8, $0xb8;
	[tilespmem:$0x16400] =	vst v63  }
0x6e: {  	s0 =	simm.s32 $0x9  }
0x6f: {  	_ =	swait.ge [sflag:s0], $0x2000  }
0x70: {  	[sflag:s0] =	ssyncset.done $0x0  }
0x71: {  	s8 =	simm.s32 $0xA;
	[sflag:s0] =	ssyncadd.s32 $0xFFFFE000  }
0x72: {  	_ =	swait.ge [sflag:s8], $0x2000  }
0x73: {  	[sflag:s8] =	ssyncset.done $0x0  }
0x74: {  	s9 =	simm.s32 $0xB;
	[sflag:s8] =	ssyncadd.s32 $0xFFFFE000  }
0x75: {  	_ =	swait.ge [sflag:s9], $0x2000  }
0x76: {  	[sflag:s9] =	ssyncset.done $0x0  }
0x77: {  	[sflag:s9] =	ssyncadd.s32 $0xFFFFE000  }
0x78: {  	_ =	swait.ge [sflag:s14], $0x2000  }
0x79: {  	[sflag:s14] =	ssyncset.done $0x0  }
0x7a: {  	[sflag:s14] =	ssyncadd.s32 $0xFFFFE000  }
0x7b: {  	_ =	swait.ge [sflag:s16], $0x2000  }
0x7c: {  	[sflag:s16] =	ssyncset.done $0x0  }
0x7d: {  	[sflag:s16] =	ssyncadd.s32 $0xFFFFE000  }
0x7e: {  	_ =	swait.ge [sflag:s18], $0x2000  }
0x7f: {  	[sflag:s18] =	ssyncset.done $0x0  }
0x80: {  	[sflag:s18] =	ssyncadd.s32 $0xFFFFE000  }
0x81: {  	_ =	swait.ge [sflag:s20], $0x2000  }
0x82: {  	[sflag:s20] =	ssyncset.done $0x0  }
0x83: {  	[sflag:s20] =	ssyncadd.s32 $0xFFFFE000  }
0x84: {  	_ =	swait.ge [sflag:s22], $0x2000  }
0x85: {  	s4 =	sadd.s32 $0x1, s4;
	s12 =	rddreg [dreg:$0x4]  }
0x86: {  	p0 =	sne.s32 s4, s12  }
.Ltmp1:
0x87: {  	_ = 	snop;
	(pc) =	sbr.rel @p0 .LBB2_1-.Ltmp1, $3  }
0x88: {  	_ =	sdelay $0x1  }
0x89: {  	[sflag:s22] =	ssyncset.done $0x0  }
0x8a: {  	[sflag:s22] =	ssyncadd.s32 $0xFFFFE000  }
0x8b: {  	_ =	sfence.sel $0x180000  }
0x8c: {  	[bflag:$0x0] =	sbarrier.arrive $0xFFFF  }
0x8d: {  	_ =	strace $0x90000047  }
0x8e: {  	s0 =	stileid.u32;
	[bflag:$0x2] =	sbarrier.arrive $0xFFFF  }
0x8f: {  	p0 =	sne.s32 s0, $0x0;
	s0 =	rddreg [dreg:$0x2]  }
0x90: {  	s0 =	sadd.s32 @!p0 $0x100000, s0  }
0x91: {  	[sflag:s0] =	ssyncadd.tile.s32 @!p0 $0x1;
	_ =	shalt  }
.Lfunc_end2:
_tile_overlayer_lowered:
.L_overlay_start_2:
0x92: {  	(tag) =	ssettag $0x2  }
0x93: {  	s0 =	rddreg [dreg:$0x0];
	s2 =	stileid.u32  }
0x94: {  	s1 =	rddreg [dreg:$0x1];
	p0 =	sne.s32 s2, $0x0  }
0x95: {  	s3 =	rddreg [dreg:$0x2];
	[bflag:$0x3] =	sbarrier.arrive $0xFFFF;
	s2 =	simm.s32 @!p0 $0x1C11  }
0x96: {  	[timem:s3], [sflag:s2] =	dma.local @!p0 [hbm:s0], s1  }
0x97: {  	s0 =	simm.s32 @!p0 $0x11  }
0x98: {  	_ =	swait.ge @!p0 [sflag:s0], s1  }
0x99: {  	s1 =	ssub.s32 @!p0 $0x0, s1;
	[sflag:s0] =	ssyncset.done @!p0 $0x0  }
0x9a: {  	[sflag:s0] =	ssyncadd.s32 @!p0 s1  }
0x9b: {  	[bflag:$0x3] =	sbarrier.arrive $0xFFFF  }
0x9c: {  	_ =	shalt  }

// kernel: sparse-core-data-format-call.cloned.1.call-start
scs
called_computation_lowered:
.L_overlay_start_0:
0x0: {  	s2 =	sld [smem:$0x3FD9]  }
0x1: {  	s3 =	sld [smem:$0x3FFE];
	_ =	sdelay $0x1  }
0x2: {  	s1 =	srdreg.scid  }
0x3: {  	s0 =	sand.u32 $0x1, s1  }
0x4: {  	s18 =	sshll.u32 s0, $0xA;
	s2 =	sadd.s32 s3, s2  }
0x5: {  	s2 =	sadd.s32 s2, s18  }
0x6: {  	[smem:$0x3FC6] =	sst s2  }
0x7: {  	_ = 	snop  }
0x8: {  	s2 =	sld [smem:$0x3FD0];
	(tm) =	ssettm $0x1  }
0x9: {  	s19 =	sld [smem:$0x3FFB];
	_ =	sdelay $0x3  }
0xa: {  	_ =	strace s19  }
0xb: {  	s3 =	sld [smem:$0x3FFC];
	_ =	sdelay $0x3  }
0xc: {  	_ =	strace s3  }
0xd: {  	s3 =	sld [smem:$0x3FFD];
	_ =	sdelay $0x3  }
0xe: {  	_ =	strace s3  }
0xf: {  	_ =	strace $0x8FFFFFFF  }
0x10: {  	s20 =	sld [smem:$0x3FDB];
	_ =	sdelay $0x1  }
0x11: {  	s4 =	simm.s32 $_scs_section_size  }
0x12: {  	s5 =	simm.s32 $_size__tile_overlayer_lowered;
	s6 =	simm.s32 $_tile_overlayer_lowered  }
0x13: {  	s23 =	simm.s32 $0x1BFF;
	s22 =	sshll.u32 s6, $0x1;
	s3 =	sadd.s32 s4, s20  }
0x14: {  	s7 =	simm.s32 $0x0;
	s21 =	sshll.u32 s5, $0x1;
	s5 =	sadd.s32 s22, s3  }
0x15: {  	[timem:s7], [sflag:s23] =	dma.local [hbm:s5], s21  }
0x16: {  	_ =	swait.ge [sflag:s23], s21  }
0x17: {  	s4 =	ssub.s32 $0x0, s21;
	[sflag:s23] =	ssyncset.done $0x0  }
0x18: {  	[sflag:s23] =	ssyncadd.s32 s4;
	_ =	sdelay $0x1  }
0x19: {  	s24 =	simm.s32 $0x1B8B  }
0x1a: {  	_ =	swait.ge [sflag:s24], $0x1  }
0x1b: {  	[sflag:s24] =	ssyncset.done $0x0  }
0x1c: {  	s26 =	simm.s32 $0x1B8E;
	s25 =	sld [smem:$0x3FFE];
	[sflag:s24] =	ssyncadd.s32 $0xFFFFFFFF  }
0x1d: {  	s27 =	simm.s32 $execute0_lowered;
	[smem:$0x3FD2] =	sst s26  }
0x1e: {  	s5 =	sshll.u32 s27, $0x1;
	_ =	strace $0x80000049;
	[dreg:$0x1] =	wrdreg $0xFFFFFFFF  }
0x1f: {  	s28 =	simm.s32 $_size_execute0_lowered;
	s3 =	sadd.s32 s3, s5;
	[dreg:$0x0] =	wrdreg $0x0  }
0x20: {  	s5 =	sshll.u32 s28, $0x1;
	[dreg:$0x2] =	wrdreg s3  }
0x21: {  	[dreg:$0x3] =	wrdreg s5  }
0x22: {  	[dreg:$0x4] =	wrdreg $0xC0  }
0x23: {  	_ =	task [dreg:s7], $0x5FFFF  }
0x24: {  	[dreg:$0x1] =	wrdreg $0xFFFFFFFF  }
0x25: {  	[dreg:$0x0] =	wrdreg $0x60  }
0x26: {  	[dreg:$0x2] =	wrdreg s25  }
0x27: {  	[dreg:$0x3] =	wrdreg s2  }
0x28: {  	[dreg:$0x4] =	wrdreg $0x9  }
0x29: {  	_ =	task.clear_ibuf [dreg:s7], $0x5FFFF;
	_ =	strace $0x90000049  }
0x2a: {  	s29 =	simm.s32 $0x9;
	_ =	strace $0x8000004B  }
0x2b: {  	_ =	swait.ge [sflag:s29], $0x1  }
0x2c: {  	[sflag:s29] =	ssyncadd.s32 $0xFFFFFFFF  }
0x2d: {  	_ =	strace $0x9000004B  }
0x2e: {  	_ =	sfence  }
0x2f: {  	s30 =	sld [smem:$0x0];
	_ =	sdelay $0x2  }
0x30: {  	s31 =	sshll.u32 s1, $0xD;
	s1 =	sshrl.u32 s1, $0x2  }
0x31: {  	s3 =	sand.u32 $0x4000, s31;
	s1 =	sadd.s32 s1, s30  }
0x32: {  	s0 =	sor.u32 s3, s0;
	s1 =	sshll.u32 s1, $0x11  }
0x33: {  	s0 =	sor.u32 s1, s0  }
0x34: {  	s0 =	sadd.s32 $0x8F2B, s0  }
0x35: {  	[sflag:s0] =	ssyncadd.remote.s32 $0x1  }
0x36: {  	_ =	sfence.sel $0xFFFF  }
0x37: {  	[dreg:$0x0] =	wrdreg $0xFFFFFFFF;
	(pc) =	sbr.abs _section_cstart, $3  }
0x38: {  	[dreg:$0x1] =	wrdreg $0xFFFFFFFF  }
0x39: {  	_ =	task.clear_ibuf [dreg:s7], $0x2FFFF;
	_ =	strace $0x9FFFFFFF  }
0x3a: {  	(tm) =	ssettm $0x7FFFFFFF  }
0x3b: {  	_ =	shalt  }
tec
execute0_lowered:
.L_overlay_start_1:
0x0: {  	(tag) =	ssettag $0x1  }
0x1: {  	s0 =	srdreg.scid  }
0x2: {  	s1 =	sshll.u32 s0, $0x4  }
0x3: {  	s5 =	rddreg [dreg:$0x0];
	s0 =	stileid.u32;
	s1 =	sand.u32 $0x10, s1  }
0x4: {  	s3 =	rddreg [dreg:$0x1];
	s31 =	simm.s32 $0x2;
	s4 =	sor.u32 s0, s1  }
0x5: {  	s13 =	simm.s32 $0x0;
	s9 =	simm.s32 $0x400;
	s2 =	sshll.u32 s4, $0x7  }
0x6: {  	s10 =	simm.s32 $0x8000;
	s14 =	simm.s32 $0x0;
	s6 =	ssub.s32 $0x1000, s2  }
0x7: {  	s1 =	rddreg [dreg:$0x2];
	_ =	strace $0x8000004A;
	s7 =	sand.u32 $0xF80, s6  }
0x8: {  	s4 =	sshll.u32 s4, $0xB;
	p0 =	sne.s32 s7, $0x0;
	s7 =	simm.s32 $0x1  }
.Ltmp0:
0x9: {  	s6 =	sshrl.u32 s6, $0xC;
	s7 =	simm.s32 @!p0 $0x0;
	(pc) =	sbr.rel .LBB1_1-.Ltmp0, $4  }
0xa: {  	s8 =	sadd.s32 s4, s5;
	s4 =	simm.s32 $0x1;
	s30 =	sadd.s32 s7, s6  }
0xb: {  	s11 =	simm.s32 $0x0;
	[sflag:s4] =	ssyncpa.u1 $0x0;
	s5 =	smul.u32 $0x64, s30  }
0xc: {  	s12 =	simm.s32 $0x0;
	[sflag:s31] =	ssyncpa.u1 $0x0;
	p0 =	por $0x0, $0x0  }
0xd: {  	s6 =	sadd.s32 $0xA00, s8;
	s7 =	sadd.s32 $0x10A00, s8;
	s8 =	sor.u32 $0x1, s5  }
.LBB1_7:
0xe: {  	s15 =	sadd.s32 $0x2, s11  }
0xf: {  	p2 =	sgt.s32 s15, $0xC7  }
0x10: {  	s15 =	simm.s32 @p2 $0x0;
	p2 =	sne.s32 s12, s8  }
.Ltmp1:
0x11: {  	p1 =	slt.u32 s12, $0x2;
	(pc) =	sbr.rel @!p2 .LBB1_8-.Ltmp1, $4  }
0x12: {  	s13 =	simm.s32 @!p1 $0x2  }
0x13: {  	s16 =	sadd.s32 $0x1, s12;
	s14 =	smov.u32 s11;
	_ =	swait.ge @!p1 [sflag:s13], $0x4000  }
0x14: {  	p0 =	por !p0, !p0;
	s12 =	smov.u32 s16;
	[sflag:s13] =	ssyncset.done @!p1 $0x0  }
0x15: {  	s11 =	smov.u32 s15;
	[sflag:s13] =	ssyncadd.s32 @!p1 $0xFFFFC000;
	s13 =	smov.u32 s2  }
.LBB1_1:
0x16: {  	p1 =	sge.u32 s12, s5  }
0x17: {  	s15 =	sxor.u32 @!p1 $0xFFFFFFFF, s12  }
0x18: {  	s16 =	sshll.u32 @!p1 s11, $0x10;
	s18 =	simm.s32 @!p1 $0x40;
	s15 =	sshll.u32 @!p1 s15, $0xE  }
0x19: {  	s19 =	simm.s32 @!p1 $0x80;
	s17 =	sadd.s32 @!p1 s16, s6;
	s15 =	sand.u32 @!p1 $0x4000, s15  }
0x1a: {  	[tilespmem:s15], [sflag:$0x1] =	stream.strided.gather @!p1 [hbm4b:s17+s18], $0x2000, s19, s18, $0x38;
	[tilespmem:$0x10100] =	vst v63  }
0x1b: {  	s31 =	sadd.s32 $0xFFFFFFFF, s12;
	s16 =	sadd.s32 @!p1 s16, s7;
	s15 =	sor.u32 @!p1 $0x2000, s15  }
0x1c: {  	[tilespmem:s15], [sflag:$0x1] =	stream.strided.gather @!p1 [hbm4b:s16+s18], $0x2000, s19, s18, $0x38;
	[tilespmem:$0x10100] =	vst v63  }
0x1d: {  	p1 =	sge.u32 s31, s5  }
.Ltmp2:
0x1e: {  	_ = 	snop;
	(pc) =	sbr.rel @p1 .LBB1_7-.Ltmp2, $1  }
0x1f: {  	_ =	sdelay $0x3  }
0x20: {  	s15 =	simm.s32 $0x1;
	s17 =	sand.u32 $0x1, s12  }
0x21: {  	_ =	swait.ge [sflag:s4], $0x4000;
	s15 =	simm.s32 @!p0 $0x0;
	s17 =	smul.u32 $0x10200, s17  }
0x22: {  	p2 =	por $0x1, $0x1;
	[sflag:s4] =	ssyncset.done $0x0;
	s16 =	smul.u32 $0x10200, s15  }
0x23: {  	s18 =	sshll.u32 s15, $0x10;
	[sflag:s4] =	ssyncadd.s32 $0xFFFFC000;
	s30 =	sshrl.u32 s17, $0x2  }
0x24: {  	s31 =	sshrl.u32 s18, $0x2;
	s18 =	simm.s32 $0x0;
	s16 =	sshrl.u32 s16, $0x2  }
0x25: {  	s15 =	sor.u32 $0x8000, s30;
	s17 =	sadd.s32 $0x20, s31;
	s16 =	sor.u32 $0x8000, s16  }
.LBB1_3:
0x26: {  	s19 =	sshll.u32 s18, $0xD  }
0x27: {  	s19 =	sand.u32 $0x3FFFE000, s19  }
0x28: {  	s21 =	sadd.s32 s19, s17  }
0x29: {  	s31 =	smul.u32 $0x8100, s18;
	v3 =	vld [tilespmem:s21+$0x10]  }
0x2a: {  	v1 =	vld [tilespmem:s21+$0xFFFFFFF0]  }
0x2b: {  	s18 =	sshra.s32 s31, $0x2;
	v0 =	vld [tilespmem:s21+$0x0]  }
0x2c: {  	s18 =	sadd.s32 s18, s16;
	v2 =	vld [tilespmem:s21+$0xFFFFFFE0]  }
0x2d: {  	s19 =	sadd.s32 $0x0, s18  }
0x2e: {  	p1 =	por p2, p2;
	s20 =	simm.s32 $0x4;
	s21 =	sadd.s32 $0x40, s21;
	[tilespmem:s19+$0x1830 ss:$0x81] =	vst.msk $0xffff, v3  }
.LBB1_4:
0x2f: {  	v3 =	vld [tilespmem:s21+$0x10];
	p2 =	sne.s32 s20, $0x1FC;
	[tilespmem:s19+$0x810 ss:$0x81] =	vst.msk $0xffff, v1;
	s22 =	smov.u32 s20;
	s20 =	sadd.s32 $0x4, s20  }
.Ltmp3:
0x30: {  	v1 =	vld [tilespmem:s21+$0xFFFFFFF0];
	[tilespmem:s19+$0x1020 ss:$0x81] =	vst.msk $0xffff, v0;
	(pc) =	sbr.rel @p2 .LBB1_4-.Ltmp3, $4  }
0x31: {  	v0 =	vld [tilespmem:s21+$0x0];
	[tilespmem:s19+$0x0 ss:$0x81] =	vst.msk $0xffff, v2  }
0x32: {  	s19 =	sshra.s32 s22, $0x2;
	v2 =	vld [tilespmem:s21+$0xFFFFFFE0]  }
0x33: {  	s19 =	sadd.s32 s19, s18  }
0x34: {  	s21 =	sadd.s32 $0x40, s21;
	[tilespmem:s19+$0x1830 ss:$0x81] =	vst.msk $0xffff, v3  }
.Ltmp4:
0x35: {  	(pc) =	sbr.rel @p1 .LBB1_3-.Ltmp4, $4  }
0x36: {  	_ = 	snop  }
0x37: {  	[tilespmem:s19+$0x810 ss:$0x81] =	vst.msk $0xffff, v1  }
0x38: {  	[tilespmem:s19+$0x1020 ss:$0x81] =	vst.msk $0xffff, v0  }
0x39: {  	s18 =	simm.s32 $0x1;
	p2 =	por $0x0, $0x0;
	[tilespmem:s19+$0x0 ss:$0x81] =	vst.msk $0xffff, v2  }
.Ltmp5:
0x3a: {  	(pc) =	sbr.rel .LBB1_7-.Ltmp5, $4  }
0x3b: {  	s14 =	sshll.u32 s14, $0xF  }
0x3c: {  	s14 =	sadd.s32 s3, s14  }
0x3d: {  	s13 =	sadd.s32 s13, s14  }
0x3e: {  	[hbm4b:s13+s9] =	stream.strided.scatter [tilespmem:s15], [sflag:$0x2], $0x4000, s10, s9, $0x20;
	[tilespmem:$0x10100] =	vst v63  }
.LBB1_8:
0x3f: {  	_ =	sfence.sel $0x180000  }
0x40: {  	s2 =	simm.s32 $0x1;
	[bflag:$0x0] =	sbarrier.arrive $0xFFFF  }
0x41: {  	s31 =	simm.s32 $0x2;
	[sflag:s2] =	ssyncpa.u1 $0x1  }
0x42: {  	[sflag:s31] =	ssyncpa.u1 $0x1  }
0x43: {  	p0 =	sne.s32 s0, $0x0;
	_ =	strace $0x9000004A  }
0x44: {  	s0 =	sadd.s32 @!p0 $0x100000, s1;
	[bflag:$0x2] =	sbarrier.arrive $0xFFFF  }
0x45: {  	[sflag:s0] =	ssyncadd.tile.s32 @!p0 $0x1;
	_ =	shalt  }
.Lfunc_end1:
_tile_overlayer_lowered:
.L_overlay_start_2:
0x46: {  	(tag) =	ssettag $0x2  }
0x47: {  	s0 =	rddreg [dreg:$0x0];
	s2 =	stileid.u32  }
0x48: {  	s1 =	rddreg [dreg:$0x1];
	p0 =	sne.s32 s2, $0x0  }
0x49: {  	s3 =	rddreg [dreg:$0x2];
	[bflag:$0x3] =	sbarrier.arrive $0xFFFF;
	s2 =	simm.s32 @!p0 $0x1C01  }
0x4a: {  	[timem:s3], [sflag:s2] =	dma.local @!p0 [hbm:s0], s1  }
0x4b: {  	s0 =	simm.s32 @!p0 $0x1  }
0x4c: {  	_ =	swait.ge @!p0 [sflag:s0], s1  }
0x4d: {  	s1 =	ssub.s32 @!p0 $0x0, s1;
	[sflag:s0] =	ssyncset.done @!p0 $0x0  }
0x4e: {  	[sflag:s0] =	ssyncadd.s32 @!p0 s1  }
0x4f: {  	[bflag:$0x3] =	sbarrier.arrive $0xFFFF  }
0x50: {  	_ =	shalt  }

</sc_bundles>
